<compile_context>
chip_gen: v7x
topology: tpu7x:2x2x1
jax: 0.10.2.dev20260603
libtpu: 0.0.44.dev20260713+nightly
codegen_flags: <defaults>
</compile_context>

<pallas_src>
import functools

import jax
import jax.numpy as jnp
from jax import lax
from jax.experimental import pallas as pl
from jax.experimental.pallas import tpu as pltpu
from jax.experimental.pallas import tpu_sc as plsc

_TOK = 50
_EMB = 20
_HID = 60
_L = 16
_NGRP = 4


def _body(x_hbm, table_hbm, w1_hbm, b1_hbm, w2_hbm, b2_hbm,
          out_hbm, scr_hbm,
          idx_v, e_v, w1_v, b1_v, w2_v, h_v, res_v, allp_v, b2_v, sem):
    c = lax.axis_index("c")
    s = lax.axis_index("s")
    active = jnp.logical_and(c == 0, s < _NGRP)

    @pl.when(active)
    def _compute():
        pltpu.sync_copy(x_hbm, idx_v.at[pl.ds(0, _TOK)])
        iota = lax.iota(jnp.int32, _L)
        tok = s.astype(jnp.int32) * _L + iota
        tokc = jnp.minimum(tok, _TOK - 1)
        myidx = plsc.load_gather(idx_v, [tokc])
        rem = jnp.bitwise_and(myidx, 7)
        handles = []
        for t in range(_L):
            tid = jnp.right_shift(myidx[t], 3)
            handles.append(pltpu.async_copy(
                table_hbm.at[tid], e_v.at[t], sem))
        pltpu.sync_copy(w1_hbm, w1_v)
        pltpu.sync_copy(b1_hbm, b1_v)
        pltpu.sync_copy(w2_hbm, w2_v)
        for h in handles:
            h.wait()

        eT = [plsc.load_gather(e_v, [iota, rem, jnp.full((_L,), k, jnp.int32)])
              for k in range(_EMB)]

        kc = [jnp.full((_L,), k, jnp.int32) for k in range(_EMB)]

        def p1(j, m):
            j_bc = jnp.zeros((_L,), jnp.int32) + j
            acc = plsc.load_gather(b1_v, [j_bc])
            for k in range(_EMB):
                acc = acc + plsc.load_gather(w1_v, [j_bc, kc[k]]) * eT[k]
            h_v[j] = acc
            return jnp.maximum(m, acc)

        m = lax.fori_loop(0, _HID, p1, jnp.full((_L,), -3e38, jnp.float32))

        w2base = tokc * _HID
        zero16 = jnp.zeros((_L,), jnp.int32)

        def p2(j, carry):
            den, num = carry
            p = jnp.exp(h_v[j] - m)
            wv = plsc.load_gather(w2_v, [zero16, w2base + j])
            return den + p, num + p * wv

        den, num = lax.fori_loop(
            0, _HID, p2,
            (jnp.zeros((_L,), jnp.float32), jnp.zeros((_L,), jnp.float32)))

        contrib = jnp.where(tok < _TOK, num / den, jnp.zeros((_L,), jnp.float32))
        res_v[...] = contrib
        pltpu.sync_copy(res_v, scr_hbm.at[s])

    plsc.subcore_barrier()

    @pl.when(jnp.logical_and(c == 0, s == 0))
    def _finalize():
        pltpu.sync_copy(b2_hbm, b2_v)
        pltpu.sync_copy(scr_hbm, allp_v)
        tot = allp_v[0] + allp_v[1] + allp_v[2] + allp_v[3]
        b2_bc = plsc.load_gather(b2_v, [jnp.zeros((_L,), jnp.int32)])
        total = jnp.sum(tot) + b2_bc
        res_v[...] = jnp.maximum(total, jnp.zeros((_L,), jnp.float32))
        pltpu.sync_copy(res_v.at[pl.ds(0, 1)], out_hbm)


_fwd = functools.partial(
    pl.kernel,
    out_type=(jax.ShapeDtypeStruct((1,), jnp.float32),
              jax.ShapeDtypeStruct((_NGRP, _L), jnp.float32)),
    mesh=plsc.VectorSubcoreMesh(core_axis_name="c", subcore_axis_name="s",
                                num_cores=1),
    compiler_params=pltpu.CompilerParams(needs_layout_passes=False),
    scratch_types=[
        pltpu.VMEM((64,), jnp.int32),
        pltpu.VMEM((_L, 8, _EMB), jnp.float32),
        pltpu.VMEM((_HID, _EMB), jnp.float32),
        pltpu.VMEM((_HID,), jnp.float32),
        pltpu.VMEM((1, _TOK * _HID), jnp.float32),
        pltpu.VMEM((_HID, _L), jnp.float32),
        pltpu.VMEM((_L,), jnp.float32),
        pltpu.VMEM((_NGRP, _L), jnp.float32),
        pltpu.VMEM((1,), jnp.float32),
        pltpu.SemaphoreType.DMA,
    ],
)(_body)


def kernel(x, table, W1, b1, W2, b2):
    table3 = table.reshape(table.shape[0] // 8, 8, table.shape[1])
    out, _ = _fwd(x.astype(jnp.int32), table3, W1, b1, W2, b2)
    return out

# --- scband reference (transcript-rebuilt; emitter-appended) ---
"""Pipeline reference for scband-taste-tester-81707457839187 (READ-ONLY COPY).

The authoritative reference and input builder live on the scoring server;
editing this copy changes nothing except your own understanding.
"""

import jax, jax.numpy as jnp
import numpy as np

VOCAB = 100000
EMB = 20
HID = 60
FLAT = 3000  # 50 tokens * 60 hidden


def setup_inputs(seed: int = 0) -> dict:
    key = jax.random.key(seed)
    ks = jax.random.split(key, 6)
    x = jax.random.randint(ks[0], (50,), 0, VOCAB, dtype=jnp.int64 if jax.config.jax_enable_x64 else jnp.int32)
    table = jax.random.normal(ks[1], (VOCAB, EMB), dtype=jnp.float32)
    W1 = jax.random.normal(ks[2], (HID, EMB), dtype=jnp.float32) * (1.0 / np.sqrt(EMB))
    b1 = jax.random.normal(ks[3], (HID,), dtype=jnp.float32) * 0.01
    W2 = jax.random.normal(ks[4], (1, FLAT), dtype=jnp.float32) * (1.0 / np.sqrt(FLAT))
    b2 = jax.random.normal(ks[5], (1,), dtype=jnp.float32) * 0.01
    return {"x": x, "table": table, "W1": W1, "b1": b1, "W2": W2, "b2": b2}


def reference(x, table, W1, b1, W2, b2):
    # nn.Embedding lookup
    e = jnp.take(table, x, axis=0)            # [50, 20]
    # nn.Linear(20, 60)
    h = e @ W1.T + b1                          # [50, 60]
    # F.softmax with implicit dim: ndim==2 -> dim=1
    s = jax.nn.softmax(h, axis=1)              # [50, 60]
    # Dropout(p=0.05) in eval mode -> identity
    flat = s.reshape(-1)                       # [3000]
    # nn.Linear(3000, 1) on a 1-D tensor
    out = W2 @ flat + b2                       # [1]
    return jax.nn.relu(out)

if __name__ == "__main__":
    import jax
    _d = setup_inputs()
    print(jax.jit(kernel)(*tuple(_d.values())))

</pallas_src>

<mosaic_0001>
#map = affine_map<(d0, d1) -> (0)>
#map1 = affine_map<(d0, d1) -> (0, 0, 0)>
#map2 = affine_map<(d0, d1) -> (0, 0)>
module attributes {stable_mosaic.version = 14 : i64} {
  func.func @_body(%arg0: i32, %arg1: i32, %arg2: memref<50xi32, #tpu.memory_space<hbm>>, %arg3: memref<12500x8x20xf32, #tpu.memory_space<hbm>>, %arg4: memref<60x20xf32, #tpu.memory_space<hbm>>, %arg5: memref<60xf32, #tpu.memory_space<hbm>>, %arg6: memref<1x3000xf32, #tpu.memory_space<hbm>>, %arg7: memref<1xf32, #tpu.memory_space<hbm>>, %arg8: memref<1xf32, #tpu.memory_space<hbm>>, %arg9: memref<4x16xf32, #tpu.memory_space<hbm>>, %arg10: memref<64xi32, #tpu.memory_space<vmem>>, %arg11: memref<16x8x20xf32, #tpu.memory_space<vmem>>, %arg12: memref<60x20xf32, #tpu.memory_space<vmem>>, %arg13: memref<60xf32, #tpu.memory_space<vmem>>, %arg14: memref<1x3000xf32, #tpu.memory_space<vmem>>, %arg15: memref<60x16xf32, #tpu.memory_space<vmem>>, %arg16: memref<16xf32, #tpu.memory_space<vmem>>, %arg17: memref<4x16xf32, #tpu.memory_space<vmem>>, %arg18: memref<1xf32, #tpu.memory_space<vmem>>, %arg19: memref<!tpu.dma_semaphore, #tpu.memory_space<semaphore_mem>>) attributes {dimension_semantics = [#tpu.dimension_semantics<core_parallel>, #tpu.dimension_semantics<subcore_parallel>], iteration_bounds = array<i64: 1, 16>, scalar_prefetch = 0 : i64, scratch_operands = 10 : i64, tpu.core_type = #tpu.core_type<sc_vector_subcore>, window_params = [{transform_indices = #map}, {transform_indices = #map1}, {transform_indices = #map2}, {transform_indices = #map}, {transform_indices = #map2}, {transform_indices = #map}, {transform_indices = #map}, {transform_indices = #map2}]} {
    %eq3A = arith.constant 0 : i32
    %eq3A_0 = arith.cmpi eq, %arg0, %eq3A : i32
    %lt3A = arith.constant 4 : i32
    %lt3A_1 = arith.cmpi slt, %arg1, %lt3A : i32
    %and3A = arith.andi %eq3A_0, %lt3A_1 : i1
    %convert_element_type3A = arith.extui %and3A : i1 to i32
    %cond3A = arith.constant 0 : i32
    %cond3A_2 = arith.cmpi ne, %convert_element_type3A, %cond3A : i32
    scf.if %cond3A_2 {
      "tpu.region"() ({
        %run_scoped3A = tpu.sem_alloc : memref<!tpu.dma_semaphore, #tpu.memory_space<semaphore_mem>>
        %dma_start3A_748 = arith.constant 0 : i32
        %dma_start3A_749 = tpu.memref_slice %arg10[%dma_start3A_748] : memref<64xi32, #tpu.memory_space<vmem>> -> memref<50xi32, #tpu.memory_space<vmem>>
        %dma_start3A_750 = arith.constant 0 : i32
        %dma_start3A_751 = tpu.memref_slice %arg10[%dma_start3A_750] : memref<64xi32, #tpu.memory_space<vmem>> -> memref<50xi32, #tpu.memory_space<vmem>>
        tpu.enqueue_dma source(%arg2 : memref<50xi32, #tpu.memory_space<hbm>>) target(%dma_start3A_751 : memref<50xi32, #tpu.memory_space<vmem>>) target_semaphore(%run_scoped3A : memref<!tpu.dma_semaphore, #tpu.memory_space<semaphore_mem>>)
        %dma_wait3A_752 = arith.constant 0 : i32
        %dma_wait3A_753 = tpu.memref_slice %arg10[%dma_wait3A_752] : memref<64xi32, #tpu.memory_space<vmem>> -> memref<50xi32, #tpu.memory_space<vmem>>
        %dma_wait3A_754 = arith.constant 0 : i32
        %dma_wait3A_755 = tpu.memref_slice %arg10[%dma_wait3A_754] : memref<64xi32, #tpu.memory_space<vmem>> -> memref<50xi32, #tpu.memory_space<vmem>>
        tpu.wait_dma2 semaphore(%run_scoped3A : memref<!tpu.dma_semaphore, #tpu.memory_space<semaphore_mem>>) src(%arg2 : memref<50xi32, #tpu.memory_space<hbm>>) dst(%dma_wait3A_755 : memref<50xi32, #tpu.memory_space<vmem>>)
        tpu.yield
      }) : () -> ()
      %iota3A = tpu.iota {dimensions = array<i32: 0>} : vector<16xi32>
      %mul3A = arith.constant 16 : i32
      %mul3A_11 = arith.muli %arg1, %mul3A : i32
      %add3A = vector.broadcast %mul3A_11 : i32 to vector<16xi32>
      %add3A_12 = arith.addi %add3A, %iota3A : vector<16xi32>
      %min3A = arith.constant 49 : i32
      %min3A_13 = vector.broadcast %min3A : i32 to vector<16xi32>
      %min3A_14 = arith.minsi %add3A_12, %min3A_13 : vector<16xi32>
      %gather3A = tpu.vector_load_idx %arg10[%min3A_14] : memref<64xi32, #tpu.memory_space<vmem>>[vector<16xi32>], vector<16xi32>,
      %and3A_15 = arith.constant 7 : i32
      %and3A_16 = vector.broadcast %and3A_15 : i32 to vector<16xi32>
      %and3A_17 = arith.andi %gather3A, %and3A_16 : vector<16xi32>
      %slice3A = vector.extract_strided_slice %gather3A {offsets = [0], sizes = [1], strides = [1]} : vector<16xi32> to vector<1xi32>
      %squeeze3A = vector.extract %slice3A[0] : i32 from vector<1xi32>
      %shift_right_arithmetic3A = arith.constant 3 : i32
      %shift_right_arithmetic3A_18 = arith.shrsi %squeeze3A, %shift_right_arithmetic3A : i32
      %dma_start3A = arith.constant 0 : i32
      %dma_start3A_19 = arith.constant 0 : i32
      %dma_start3A_20 = arith.constant 0 : i32
      %dma_start3A_21 = tpu.memref_slice %arg11[%dma_start3A, %dma_start3A_19, %dma_start3A_20] : memref<16x8x20xf32, #tpu.memory_space<vmem>> -> memref<1x8x20xf32, #tpu.memory_space<vmem>>
      %dma_start3A_22 = tpu.memref_squeeze %dma_start3A_21 : memref<1x8x20xf32, #tpu.memory_space<vmem>> -> memref<8x20xf32, #tpu.memory_space<vmem>>
      %dma_start3A_23 = arith.constant 0 : i32
      %dma_start3A_24 = arith.constant 0 : i32
      %dma_start3A_25 = tpu.memref_slice %arg3[%shift_right_arithmetic3A_18, %dma_start3A_23, %dma_start3A_24] : memref<12500x8x20xf32, #tpu.memory_space<hbm>> -> memref<1x8x20xf32, #tpu.memory_space<hbm>>
      %dma_start3A_26 = tpu.memref_squeeze %dma_start3A_25 : memref<1x8x20xf32, #tpu.memory_space<hbm>> -> memref<8x20xf32, #tpu.memory_space<hbm>>
      %dma_start3A_27 = arith.constant 0 : i32
      %dma_start3A_28 = arith.constant 0 : i32
      %dma_start3A_29 = tpu.memref_slice %arg11[%dma_start3A, %dma_start3A_27, %dma_start3A_28] : memref<16x8x20xf32, #tpu.memory_space<vmem>> -> memref<1x8x20xf32, #tpu.memory_space<vmem>>
      %dma_start3A_30 = tpu.memref_squeeze %dma_start3A_29 : memref<1x8x20xf32, #tpu.memory_space<vmem>> -> memref<8x20xf32, #tpu.memory_space<vmem>>
      %dma_start3A_31 = arith.constant 0 : i32
      %dma_start3A_32 = arith.constant 0 : i32
      %dma_start3A_33 = tpu.memref_slice %arg3[%shift_right_arithmetic3A_18, %dma_start3A_31, %dma_start3A_32] : memref<12500x8x20xf32, #tpu.memory_space<hbm>> -> memref<1x8x20xf32, #tpu.memory_space<hbm>>
      %dma_start3A_34 = tpu.memref_squeeze %dma_start3A_33 : memref<1x8x20xf32, #tpu.memory_space<hbm>> -> memref<8x20xf32, #tpu.memory_space<hbm>>
      tpu.enqueue_dma source(%dma_start3A_34 : memref<8x20xf32, #tpu.memory_space<hbm>>) target(%dma_start3A_30 : memref<8x20xf32, #tpu.memory_space<vmem>>) target_semaphore(%arg19 : memref<!tpu.dma_semaphore, #tpu.memory_space<semaphore_mem>>)
      %slice3A_35 = vector.extract_strided_slice %gather3A {offsets = [1], sizes = [1], strides = [1]} : vector<16xi32> to vector<1xi32>
      %squeeze3A_36 = vector.extract %slice3A_35[0] : i32 from vector<1xi32>
      %shift_right_arithmetic3A_37 = arith.constant 3 : i32
      %shift_right_arithmetic3A_38 = arith.shrsi %squeeze3A_36, %shift_right_arithmetic3A_37 : i32
      %dma_start3A_39 = arith.constant 1 : i32
      %dma_start3A_40 = arith.constant 0 : i32
      %dma_start3A_41 = arith.constant 0 : i32
      %dma_start3A_42 = tpu.memref_slice %arg11[%dma_start3A_39, %dma_start3A_40, %dma_start3A_41] : memref<16x8x20xf32, #tpu.memory_space<vmem>> -> memref<1x8x20xf32, #tpu.memory_space<vmem>>
      %dma_start3A_43 = tpu.memref_squeeze %dma_start3A_42 : memref<1x8x20xf32, #tpu.memory_space<vmem>> -> memref<8x20xf32, #tpu.memory_space<vmem>>
      %dma_start3A_44 = arith.constant 0 : i32
      %dma_start3A_45 = arith.constant 0 : i32
      %dma_start3A_46 = tpu.memref_slice %arg3[%shift_right_arithmetic3A_38, %dma_start3A_44, %dma_start3A_45] : memref<12500x8x20xf32, #tpu.memory_space<hbm>> -> memref<1x8x20xf32, #tpu.memory_space<hbm>>
      %dma_start3A_47 = tpu.memref_squeeze %dma_start3A_46 : memref<1x8x20xf32, #tpu.memory_space<hbm>> -> memref<8x20xf32, #tpu.memory_space<hbm>>
      %dma_start3A_48 = arith.constant 0 : i32
      %dma_start3A_49 = arith.constant 0 : i32
      %dma_start3A_50 = tpu.memref_slice %arg11[%dma_start3A_39, %dma_start3A_48, %dma_start3A_49] : memref<16x8x20xf32, #tpu.memory_space<vmem>> -> memref<1x8x20xf32, #tpu.memory_space<vmem>>
      %dma_start3A_51 = tpu.memref_squeeze %dma_start3A_50 : memref<1x8x20xf32, #tpu.memory_space<vmem>> -> memref<8x20xf32, #tpu.memory_space<vmem>>
      %dma_start3A_52 = arith.constant 0 : i32
      %dma_start3A_53 = arith.constant 0 : i32
      %dma_start3A_54 = tpu.memref_slice %arg3[%shift_right_arithmetic3A_38, %dma_start3A_52, %dma_start3A_53] : memref<12500x8x20xf32, #tpu.memory_space<hbm>> -> memref<1x8x20xf32, #tpu.memory_space<hbm>>
      %dma_start3A_55 = tpu.memref_squeeze %dma_start3A_54 : memref<1x8x20xf32, #tpu.memory_space<hbm>> -> memref<8x20xf32, #tpu.memory_space<hbm>>
      tpu.enqueue_dma source(%dma_start3A_55 : memref<8x20xf32, #tpu.memory_space<hbm>>) target(%dma_start3A_51 : memref<8x20xf32, #tpu.memory_space<vmem>>) target_semaphore(%arg19 : memref<!tpu.dma_semaphore, #tpu.memory_space<semaphore_mem>>)
      %slice3A_56 = vector.extract_strided_slice %gather3A {offsets = [2], sizes = [1], strides = [1]} : vector<16xi32> to vector<1xi32>
      %squeeze3A_57 = vector.extract %slice3A_56[0] : i32 from vector<1xi32>
      %shift_right_arithmetic3A_58 = arith.constant 3 : i32
      %shift_right_arithmetic3A_59 = arith.shrsi %squeeze3A_57, %shift_right_arithmetic3A_58 : i32
      %dma_start3A_60 = arith.constant 2 : i32
      %dma_start3A_61 = arith.constant 0 : i32
      %dma_start3A_62 = arith.constant 0 : i32
      %dma_start3A_63 = tpu.memref_slice %arg11[%dma_start3A_60, %dma_start3A_61, %dma_start3A_62] : memref<16x8x20xf32, #tpu.memory_space<vmem>> -> memref<1x8x20xf32, #tpu.memory_space<vmem>>
      %dma_start3A_64 = tpu.memref_squeeze %dma_start3A_63 : memref<1x8x20xf32, #tpu.memory_space<vmem>> -> memref<8x20xf32, #tpu.memory_space<vmem>>
      %dma_start3A_65 = arith.constant 0 : i32
      %dma_start3A_66 = arith.constant 0 : i32
      %dma_start3A_67 = tpu.memref_slice %arg3[%shift_right_arithmetic3A_59, %dma_start3A_65, %dma_start3A_66] : memref<12500x8x20xf32, #tpu.memory_space<hbm>> -> memref<1x8x20xf32, #tpu.memory_space<hbm>>
      %dma_start3A_68 = tpu.memref_squeeze %dma_start3A_67 : memref<1x8x20xf32, #tpu.memory_space<hbm>> -> memref<8x20xf32, #tpu.memory_space<hbm>>
      %dma_start3A_69 = arith.constant 0 : i32
      %dma_start3A_70 = arith.constant 0 : i32
      %dma_start3A_71 = tpu.memref_slice %arg11[%dma_start3A_60, %dma_start3A_69, %dma_start3A_70] : memref<16x8x20xf32, #tpu.memory_space<vmem>> -> memref<1x8x20xf32, #tpu.memory_space<vmem>>
      %dma_start3A_72 = tpu.memref_squeeze %dma_start3A_71 : memref<1x8x20xf32, #tpu.memory_space<vmem>> -> memref<8x20xf32, #tpu.memory_space<vmem>>
      %dma_start3A_73 = arith.constant 0 : i32
      %dma_start3A_74 = arith.constant 0 : i32
      %dma_start3A_75 = tpu.memref_slice %arg3[%shift_right_arithmetic3A_59, %dma_start3A_73, %dma_start3A_74] : memref<12500x8x20xf32, #tpu.memory_space<hbm>> -> memref<1x8x20xf32, #tpu.memory_space<hbm>>
      %dma_start3A_76 = tpu.memref_squeeze %dma_start3A_75 : memref<1x8x20xf32, #tpu.memory_space<hbm>> -> memref<8x20xf32, #tpu.memory_space<hbm>>
      tpu.enqueue_dma source(%dma_start3A_76 : memref<8x20xf32, #tpu.memory_space<hbm>>) target(%dma_start3A_72 : memref<8x20xf32, #tpu.memory_space<vmem>>) target_semaphore(%arg19 : memref<!tpu.dma_semaphore, #tpu.memory_space<semaphore_mem>>)
      %slice3A_77 = vector.extract_strided_slice %gather3A {offsets = [3], sizes = [1], strides = [1]} : vector<16xi32> to vector<1xi32>
      %squeeze3A_78 = vector.extract %slice3A_77[0] : i32 from vector<1xi32>
      %shift_right_arithmetic3A_79 = arith.constant 3 : i32
      %shift_right_arithmetic3A_80 = arith.shrsi %squeeze3A_78, %shift_right_arithmetic3A_79 : i32
      %dma_start3A_81 = arith.constant 3 : i32
      %dma_start3A_82 = arith.constant 0 : i32
      %dma_start3A_83 = arith.constant 0 : i32
      %dma_start3A_84 = tpu.memref_slice %arg11[%dma_start3A_81, %dma_start3A_82, %dma_start3A_83] : memref<16x8x20xf32, #tpu.memory_space<vmem>> -> memref<1x8x20xf32, #tpu.memory_space<vmem>>
      %dma_start3A_85 = tpu.memref_squeeze %dma_start3A_84 : memref<1x8x20xf32, #tpu.memory_space<vmem>> -> memref<8x20xf32, #tpu.memory_space<vmem>>
      %dma_start3A_86 = arith.constant 0 : i32
      %dma_start3A_87 = arith.constant 0 : i32
      %dma_start3A_88 = tpu.memref_slice %arg3[%shift_right_arithmetic3A_80, %dma_start3A_86, %dma_start3A_87] : memref<12500x8x20xf32, #tpu.memory_space<hbm>> -> memref<1x8x20xf32, #tpu.memory_space<hbm>>
      %dma_start3A_89 = tpu.memref_squeeze %dma_start3A_88 : memref<1x8x20xf32, #tpu.memory_space<hbm>> -> memref<8x20xf32, #tpu.memory_space<hbm>>
      %dma_start3A_90 = arith.constant 0 : i32
      %dma_start3A_91 = arith.constant 0 : i32
      %dma_start3A_92 = tpu.memref_slice %arg11[%dma_start3A_81, %dma_start3A_90, %dma_start3A_91] : memref<16x8x20xf32, #tpu.memory_space<vmem>> -> memref<1x8x20xf32, #tpu.memory_space<vmem>>
      %dma_start3A_93 = tpu.memref_squeeze %dma_start3A_92 : memref<1x8x20xf32, #tpu.memory_space<vmem>> -> memref<8x20xf32, #tpu.memory_space<vmem>>
      %dma_start3A_94 = arith.constant 0 : i32
      %dma_start3A_95 = arith.constant 0 : i32
      %dma_start3A_96 = tpu.memref_slice %arg3[%shift_right_arithmetic3A_80, %dma_start3A_94, %dma_start3A_95] : memref<12500x8x20xf32, #tpu.memory_space<hbm>> -> memref<1x8x20xf32, #tpu.memory_space<hbm>>
      %dma_start3A_97 = tpu.memref_squeeze %dma_start3A_96 : memref<1x8x20xf32, #tpu.memory_space<hbm>> -> memref<8x20xf32, #tpu.memory_space<hbm>>
      tpu.enqueue_dma source(%dma_start3A_97 : memref<8x20xf32, #tpu.memory_space<hbm>>) target(%dma_start3A_93 : memref<8x20xf32, #tpu.memory_space<vmem>>) target_semaphore(%arg19 : memref<!tpu.dma_semaphore, #tpu.memory_space<semaphore_mem>>)
      %slice3A_98 = vector.extract_strided_slice %gather3A {offsets = [4], sizes = [1], strides = [1]} : vector<16xi32> to vector<1xi32>
      %squeeze3A_99 = vector.extract %slice3A_98[0] : i32 from vector<1xi32>
      %shift_right_arithmetic3A_100 = arith.constant 3 : i32
      %shift_right_arithmetic3A_101 = arith.shrsi %squeeze3A_99, %shift_right_arithmetic3A_100 : i32
      %dma_start3A_102 = arith.constant 4 : i32
      %dma_start3A_103 = arith.constant 0 : i32
      %dma_start3A_104 = arith.constant 0 : i32
      %dma_start3A_105 = tpu.memref_slice %arg11[%dma_start3A_102, %dma_start3A_103, %dma_start3A_104] : memref<16x8x20xf32, #tpu.memory_space<vmem>> -> memref<1x8x20xf32, #tpu.memory_space<vmem>>
      %dma_start3A_106 = tpu.memref_squeeze %dma_start3A_105 : memref<1x8x20xf32, #tpu.memory_space<vmem>> -> memref<8x20xf32, #tpu.memory_space<vmem>>
      %dma_start3A_107 = arith.constant 0 : i32
      %dma_start3A_108 = arith.constant 0 : i32
      %dma_start3A_109 = tpu.memref_slice %arg3[%shift_right_arithmetic3A_101, %dma_start3A_107, %dma_start3A_108] : memref<12500x8x20xf32, #tpu.memory_space<hbm>> -> memref<1x8x20xf32, #tpu.memory_space<hbm>>
      %dma_start3A_110 = tpu.memref_squeeze %dma_start3A_109 : memref<1x8x20xf32, #tpu.memory_space<hbm>> -> memref<8x20xf32, #tpu.memory_space<hbm>>
      %dma_start3A_111 = arith.constant 0 : i32
      %dma_start3A_112 = arith.constant 0 : i32
      %dma_start3A_113 = tpu.memref_slice %arg11[%dma_start3A_102, %dma_start3A_111, %dma_start3A_112] : memref<16x8x20xf32, #tpu.memory_space<vmem>> -> memref<1x8x20xf32, #tpu.memory_space<vmem>>
      %dma_start3A_114 = tpu.memref_squeeze %dma_start3A_113 : memref<1x8x20xf32, #tpu.memory_space<vmem>> -> memref<8x20xf32, #tpu.memory_space<vmem>>
      %dma_start3A_115 = arith.constant 0 : i32
      %dma_start3A_116 = arith.constant 0 : i32
      %dma_start3A_117 = tpu.memref_slice %arg3[%shift_right_arithmetic3A_101, %dma_start3A_115, %dma_start3A_116] : memref<12500x8x20xf32, #tpu.memory_space<hbm>> -> memref<1x8x20xf32, #tpu.memory_space<hbm>>
      %dma_start3A_118 = tpu.memref_squeeze %dma_start3A_117 : memref<1x8x20xf32, #tpu.memory_space<hbm>> -> memref<8x20xf32, #tpu.memory_space<hbm>>
      tpu.enqueue_dma source(%dma_start3A_118 : memref<8x20xf32, #tpu.memory_space<hbm>>) target(%dma_start3A_114 : memref<8x20xf32, #tpu.memory_space<vmem>>) target_semaphore(%arg19 : memref<!tpu.dma_semaphore, #tpu.memory_space<semaphore_mem>>)
      %slice3A_119 = vector.extract_strided_slice %gather3A {offsets = [5], sizes = [1], strides = [1]} : vector<16xi32> to vector<1xi32>
      %squeeze3A_120 = vector.extract %slice3A_119[0] : i32 from vector<1xi32>
      %shift_right_arithmetic3A_121 = arith.constant 3 : i32
      %shift_right_arithmetic3A_122 = arith.shrsi %squeeze3A_120, %shift_right_arithmetic3A_121 : i32
      %dma_start3A_123 = arith.constant 5 : i32
      %dma_start3A_124 = arith.constant 0 : i32
      %dma_start3A_125 = arith.constant 0 : i32
      %dma_start3A_126 = tpu.memref_slice %arg11[%dma_start3A_123, %dma_start3A_124, %dma_start3A_125] : memref<16x8x20xf32, #tpu.memory_space<vmem>> -> memref<1x8x20xf32, #tpu.memory_space<vmem>>
      %dma_start3A_127 = tpu.memref_squeeze %dma_start3A_126 : memref<1x8x20xf32, #tpu.memory_space<vmem>> -> memref<8x20xf32, #tpu.memory_space<vmem>>
      %dma_start3A_128 = arith.constant 0 : i32
      %dma_start3A_129 = arith.constant 0 : i32
      %dma_start3A_130 = tpu.memref_slice %arg3[%shift_right_arithmetic3A_122, %dma_start3A_128, %dma_start3A_129] : memref<12500x8x20xf32, #tpu.memory_space<hbm>> -> memref<1x8x20xf32, #tpu.memory_space<hbm>>
      %dma_start3A_131 = tpu.memref_squeeze %dma_start3A_130 : memref<1x8x20xf32, #tpu.memory_space<hbm>> -> memref<8x20xf32, #tpu.memory_space<hbm>>
      %dma_start3A_132 = arith.constant 0 : i32
      %dma_start3A_133 = arith.constant 0 : i32
      %dma_start3A_134 = tpu.memref_slice %arg11[%dma_start3A_123, %dma_start3A_132, %dma_start3A_133] : memref<16x8x20xf32, #tpu.memory_space<vmem>> -> memref<1x8x20xf32, #tpu.memory_space<vmem>>
      %dma_start3A_135 = tpu.memref_squeeze %dma_start3A_134 : memref<1x8x20xf32, #tpu.memory_space<vmem>> -> memref<8x20xf32, #tpu.memory_space<vmem>>
      %dma_start3A_136 = arith.constant 0 : i32
      %dma_start3A_137 = arith.constant 0 : i32
      %dma_start3A_138 = tpu.memref_slice %arg3[%shift_right_arithmetic3A_122, %dma_start3A_136, %dma_start3A_137] : memref<12500x8x20xf32, #tpu.memory_space<hbm>> -> memref<1x8x20xf32, #tpu.memory_space<hbm>>
      %dma_start3A_139 = tpu.memref_squeeze %dma_start3A_138 : memref<1x8x20xf32, #tpu.memory_space<hbm>> -> memref<8x20xf32, #tpu.memory_space<hbm>>
      tpu.enqueue_dma source(%dma_start3A_139 : memref<8x20xf32, #tpu.memory_space<hbm>>) target(%dma_start3A_135 : memref<8x20xf32, #tpu.memory_space<vmem>>) target_semaphore(%arg19 : memref<!tpu.dma_semaphore, #tpu.memory_space<semaphore_mem>>)
      %slice3A_140 = vector.extract_strided_slice %gather3A {offsets = [6], sizes = [1], strides = [1]} : vector<16xi32> to vector<1xi32>
      %squeeze3A_141 = vector.extract %slice3A_140[0] : i32 from vector<1xi32>
      %shift_right_arithmetic3A_142 = arith.constant 3 : i32
      %shift_right_arithmetic3A_143 = arith.shrsi %squeeze3A_141, %shift_right_arithmetic3A_142 : i32
      %dma_start3A_144 = arith.constant 6 : i32
      %dma_start3A_145 = arith.constant 0 : i32
      %dma_start3A_146 = arith.constant 0 : i32
      %dma_start3A_147 = tpu.memref_slice %arg11[%dma_start3A_144, %dma_start3A_145, %dma_start3A_146] : memref<16x8x20xf32, #tpu.memory_space<vmem>> -> memref<1x8x20xf32, #tpu.memory_space<vmem>>
      %dma_start3A_148 = tpu.memref_squeeze %dma_start3A_147 : memref<1x8x20xf32, #tpu.memory_space<vmem>> -> memref<8x20xf32, #tpu.memory_space<vmem>>
      %dma_start3A_149 = arith.constant 0 : i32
      %dma_start3A_150 = arith.constant 0 : i32
      %dma_start3A_151 = tpu.memref_slice %arg3[%shift_right_arithmetic3A_143, %dma_start3A_149, %dma_start3A_150] : memref<12500x8x20xf32, #tpu.memory_space<hbm>> -> memref<1x8x20xf32, #tpu.memory_space<hbm>>
      %dma_start3A_152 = tpu.memref_squeeze %dma_start3A_151 : memref<1x8x20xf32, #tpu.memory_space<hbm>> -> memref<8x20xf32, #tpu.memory_space<hbm>>
      %dma_start3A_153 = arith.constant 0 : i32
      %dma_start3A_154 = arith.constant 0 : i32
      %dma_start3A_155 = tpu.memref_slice %arg11[%dma_start3A_144, %dma_start3A_153, %dma_start3A_154] : memref<16x8x20xf32, #tpu.memory_space<vmem>> -> memref<1x8x20xf32, #tpu.memory_space<vmem>>
      %dma_start3A_156 = tpu.memref_squeeze %dma_start3A_155 : memref<1x8x20xf32, #tpu.memory_space<vmem>> -> memref<8x20xf32, #tpu.memory_space<vmem>>
      %dma_start3A_157 = arith.constant 0 : i32
      %dma_start3A_158 = arith.constant 0 : i32
      %dma_start3A_159 = tpu.memref_slice %arg3[%shift_right_arithmetic3A_143, %dma_start3A_157, %dma_start3A_158] : memref<12500x8x20xf32, #tpu.memory_space<hbm>> -> memref<1x8x20xf32, #tpu.memory_space<hbm>>
      %dma_start3A_160 = tpu.memref_squeeze %dma_start3A_159 : memref<1x8x20xf32, #tpu.memory_space<hbm>> -> memref<8x20xf32, #tpu.memory_space<hbm>>
      tpu.enqueue_dma source(%dma_start3A_160 : memref<8x20xf32, #tpu.memory_space<hbm>>) target(%dma_start3A_156 : memref<8x20xf32, #tpu.memory_space<vmem>>) target_semaphore(%arg19 : memref<!tpu.dma_semaphore, #tpu.memory_space<semaphore_mem>>)
      %slice3A_161 = vector.extract_strided_slice %gather3A {offsets = [7], sizes = [1], strides = [1]} : vector<16xi32> to vector<1xi32>
      %squeeze3A_162 = vector.extract %slice3A_161[0] : i32 from vector<1xi32>
      %shift_right_arithmetic3A_163 = arith.constant 3 : i32
      %shift_right_arithmetic3A_164 = arith.shrsi %squeeze3A_162, %shift_right_arithmetic3A_163 : i32
      %dma_start3A_165 = arith.constant 7 : i32
      %dma_start3A_166 = arith.constant 0 : i32
      %dma_start3A_167 = arith.constant 0 : i32
      %dma_start3A_168 = tpu.memref_slice %arg11[%dma_start3A_165, %dma_start3A_166, %dma_start3A_167] : memref<16x8x20xf32, #tpu.memory_space<vmem>> -> memref<1x8x20xf32, #tpu.memory_space<vmem>>
      %dma_start3A_169 = tpu.memref_squeeze %dma_start3A_168 : memref<1x8x20xf32, #tpu.memory_space<vmem>> -> memref<8x20xf32, #tpu.memory_space<vmem>>
      %dma_start3A_170 = arith.constant 0 : i32
      %dma_start3A_171 = arith.constant 0 : i32
      %dma_start3A_172 = tpu.memref_slice %arg3[%shift_right_arithmetic3A_164, %dma_start3A_170, %dma_start3A_171] : memref<12500x8x20xf32, #tpu.memory_space<hbm>> -> memref<1x8x20xf32, #tpu.memory_space<hbm>>
      %dma_start3A_173 = tpu.memref_squeeze %dma_start3A_172 : memref<1x8x20xf32, #tpu.memory_space<hbm>> -> memref<8x20xf32, #tpu.memory_space<hbm>>
      %dma_start3A_174 = arith.constant 0 : i32
      %dma_start3A_175 = arith.constant 0 : i32
      %dma_start3A_176 = tpu.memref_slice %arg11[%dma_start3A_165, %dma_start3A_174, %dma_start3A_175] : memref<16x8x20xf32, #tpu.memory_space<vmem>> -> memref<1x8x20xf32, #tpu.memory_space<vmem>>
      %dma_start3A_177 = tpu.memref_squeeze %dma_start3A_176 : memref<1x8x20xf32, #tpu.memory_space<vmem>> -> memref<8x20xf32, #tpu.memory_space<vmem>>
      %dma_start3A_178 = arith.constant 0 : i32
      %dma_start3A_179 = arith.constant 0 : i32
      %dma_start3A_180 = tpu.memref_slice %arg3[%shift_right_arithmetic3A_164, %dma_start3A_178, %dma_start3A_179] : memref<12500x8x20xf32, #tpu.memory_space<hbm>> -> memref<1x8x20xf32, #tpu.memory_space<hbm>>
      %dma_start3A_181 = tpu.memref_squeeze %dma_start3A_180 : memref<1x8x20xf32, #tpu.memory_space<hbm>> -> memref<8x20xf32, #tpu.memory_space<hbm>>
      tpu.enqueue_dma source(%dma_start3A_181 : memref<8x20xf32, #tpu.memory_space<hbm>>) target(%dma_start3A_177 : memref<8x20xf32, #tpu.memory_space<vmem>>) target_semaphore(%arg19 : memref<!tpu.dma_semaphore, #tpu.memory_space<semaphore_mem>>)
      %slice3A_182 = vector.extract_strided_slice %gather3A {offsets = [8], sizes = [1], strides = [1]} : vector<16xi32> to vector<1xi32>
      %squeeze3A_183 = vector.extract %slice3A_182[0] : i32 from vector<1xi32>
      %shift_right_arithmetic3A_184 = arith.constant 3 : i32
      %shift_right_arithmetic3A_185 = arith.shrsi %squeeze3A_183, %shift_right_arithmetic3A_184 : i32
      %dma_start3A_186 = arith.constant 8 : i32
      %dma_start3A_187 = arith.constant 0 : i32
      %dma_start3A_188 = arith.constant 0 : i32
      %dma_start3A_189 = tpu.memref_slice %arg11[%dma_start3A_186, %dma_start3A_187, %dma_start3A_188] : memref<16x8x20xf32, #tpu.memory_space<vmem>> -> memref<1x8x20xf32, #tpu.memory_space<vmem>>
      %dma_start3A_190 = tpu.memref_squeeze %dma_start3A_189 : memref<1x8x20xf32, #tpu.memory_space<vmem>> -> memref<8x20xf32, #tpu.memory_space<vmem>>
      %dma_start3A_191 = arith.constant 0 : i32
      %dma_start3A_192 = arith.constant 0 : i32
      %dma_start3A_193 = tpu.memref_slice %arg3[%shift_right_arithmetic3A_185, %dma_start3A_191, %dma_start3A_192] : memref<12500x8x20xf32, #tpu.memory_space<hbm>> -> memref<1x8x20xf32, #tpu.memory_space<hbm>>
      %dma_start3A_194 = tpu.memref_squeeze %dma_start3A_193 : memref<1x8x20xf32, #tpu.memory_space<hbm>> -> memref<8x20xf32, #tpu.memory_space<hbm>>
      %dma_start3A_195 = arith.constant 0 : i32
      %dma_start3A_196 = arith.constant 0 : i32
      %dma_start3A_197 = tpu.memref_slice %arg11[%dma_start3A_186, %dma_start3A_195, %dma_start3A_196] : memref<16x8x20xf32, #tpu.memory_space<vmem>> -> memref<1x8x20xf32, #tpu.memory_space<vmem>>
      %dma_start3A_198 = tpu.memref_squeeze %dma_start3A_197 : memref<1x8x20xf32, #tpu.memory_space<vmem>> -> memref<8x20xf32, #tpu.memory_space<vmem>>
      %dma_start3A_199 = arith.constant 0 : i32
      %dma_start3A_200 = arith.constant 0 : i32
      %dma_start3A_201 = tpu.memref_slice %arg3[%shift_right_arithmetic3A_185, %dma_start3A_199, %dma_start3A_200] : memref<12500x8x20xf32, #tpu.memory_space<hbm>> -> memref<1x8x20xf32, #tpu.memory_space<hbm>>
      %dma_start3A_202 = tpu.memref_squeeze %dma_start3A_201 : memref<1x8x20xf32, #tpu.memory_space<hbm>> -> memref<8x20xf32, #tpu.memory_space<hbm>>
      tpu.enqueue_dma source(%dma_start3A_202 : memref<8x20xf32, #tpu.memory_space<hbm>>) target(%dma_start3A_198 : memref<8x20xf32, #tpu.memory_space<vmem>>) target_semaphore(%arg19 : memref<!tpu.dma_semaphore, #tpu.memory_space<semaphore_mem>>)
      %slice3A_203 = vector.extract_strided_slice %gather3A {offsets = [9], sizes = [1], strides = [1]} : vector<16xi32> to vector<1xi32>
      %squeeze3A_204 = vector.extract %slice3A_203[0] : i32 from vector<1xi32>
      %shift_right_arithmetic3A_205 = arith.constant 3 : i32
      %shift_right_arithmetic3A_206 = arith.shrsi %squeeze3A_204, %shift_right_arithmetic3A_205 : i32
      %dma_start3A_207 = arith.constant 9 : i32
      %dma_start3A_208 = arith.constant 0 : i32
      %dma_start3A_209 = arith.constant 0 : i32
      %dma_start3A_210 = tpu.memref_slice %arg11[%dma_start3A_207, %dma_start3A_208, %dma_start3A_209] : memref<16x8x20xf32, #tpu.memory_space<vmem>> -> memref<1x8x20xf32, #tpu.memory_space<vmem>>
      %dma_start3A_211 = tpu.memref_squeeze %dma_start3A_210 : memref<1x8x20xf32, #tpu.memory_space<vmem>> -> memref<8x20xf32, #tpu.memory_space<vmem>>
      %dma_start3A_212 = arith.constant 0 : i32
      %dma_start3A_213 = arith.constant 0 : i32
      %dma_start3A_214 = tpu.memref_slice %arg3[%shift_right_arithmetic3A_206, %dma_start3A_212, %dma_start3A_213] : memref<12500x8x20xf32, #tpu.memory_space<hbm>> -> memref<1x8x20xf32, #tpu.memory_space<hbm>>
      %dma_start3A_215 = tpu.memref_squeeze %dma_start3A_214 : memref<1x8x20xf32, #tpu.memory_space<hbm>> -> memref<8x20xf32, #tpu.memory_space<hbm>>
      %dma_start3A_216 = arith.constant 0 : i32
      %dma_start3A_217 = arith.constant 0 : i32
      %dma_start3A_218 = tpu.memref_slice %arg11[%dma_start3A_207, %dma_start3A_216, %dma_start3A_217] : memref<16x8x20xf32, #tpu.memory_space<vmem>> -> memref<1x8x20xf32, #tpu.memory_space<vmem>>
      %dma_start3A_219 = tpu.memref_squeeze %dma_start3A_218 : memref<1x8x20xf32, #tpu.memory_space<vmem>> -> memref<8x20xf32, #tpu.memory_space<vmem>>
      %dma_start3A_220 = arith.constant 0 : i32
      %dma_start3A_221 = arith.constant 0 : i32
      %dma_start3A_222 = tpu.memref_slice %arg3[%shift_right_arithmetic3A_206, %dma_start3A_220, %dma_start3A_221] : memref<12500x8x20xf32, #tpu.memory_space<hbm>> -> memref<1x8x20xf32, #tpu.memory_space<hbm>>
      %dma_start3A_223 = tpu.memref_squeeze %dma_start3A_222 : memref<1x8x20xf32, #tpu.memory_space<hbm>> -> memref<8x20xf32, #tpu.memory_space<hbm>>
      tpu.enqueue_dma source(%dma_start3A_223 : memref<8x20xf32, #tpu.memory_space<hbm>>) target(%dma_start3A_219 : memref<8x20xf32, #tpu.memory_space<vmem>>) target_semaphore(%arg19 : memref<!tpu.dma_semaphore, #tpu.memory_space<semaphore_mem>>)
      %slice3A_224 = vector.extract_strided_slice %gather3A {offsets = [10], sizes = [1], strides = [1]} : vector<16xi32> to vector<1xi32>
      %squeeze3A_225 = vector.extract %slice3A_224[0] : i32 from vector<1xi32>
      %shift_right_arithmetic3A_226 = arith.constant 3 : i32
      %shift_right_arithmetic3A_227 = arith.shrsi %squeeze3A_225, %shift_right_arithmetic3A_226 : i32
      %dma_start3A_228 = arith.constant 10 : i32
      %dma_start3A_229 = arith.constant 0 : i32
      %dma_start3A_230 = arith.constant 0 : i32
      %dma_start3A_231 = tpu.memref_slice %arg11[%dma_start3A_228, %dma_start3A_229, %dma_start3A_230] : memref<16x8x20xf32, #tpu.memory_space<vmem>> -> memref<1x8x20xf32, #tpu.memory_space<vmem>>
      %dma_start3A_232 = tpu.memref_squeeze %dma_start3A_231 : memref<1x8x20xf32, #tpu.memory_space<vmem>> -> memref<8x20xf32, #tpu.memory_space<vmem>>
      %dma_start3A_233 = arith.constant 0 : i32
      %dma_start3A_234 = arith.constant 0 : i32
      %dma_start3A_235 = tpu.memref_slice %arg3[%shift_right_arithmetic3A_227, %dma_start3A_233, %dma_start3A_234] : memref<12500x8x20xf32, #tpu.memory_space<hbm>> -> memref<1x8x20xf32, #tpu.memory_space<hbm>>
      %dma_start3A_236 = tpu.memref_squeeze %dma_start3A_235 : memref<1x8x20xf32, #tpu.memory_space<hbm>> -> memref<8x20xf32, #tpu.memory_space<hbm>>
      %dma_start3A_237 = arith.constant 0 : i32
      %dma_start3A_238 = arith.constant 0 : i32
      %dma_start3A_239 = tpu.memref_slice %arg11[%dma_start3A_228, %dma_start3A_237, %dma_start3A_238] : memref<16x8x20xf32, #tpu.memory_space<vmem>> -> memref<1x8x20xf32, #tpu.memory_space<vmem>>
      %dma_start3A_240 = tpu.memref_squeeze %dma_start3A_239 : memref<1x8x20xf32, #tpu.memory_space<vmem>> -> memref<8x20xf32, #tpu.memory_space<vmem>>
      %dma_start3A_241 = arith.constant 0 : i32
      %dma_start3A_242 = arith.constant 0 : i32
      %dma_start3A_243 = tpu.memref_slice %arg3[%shift_right_arithmetic3A_227, %dma_start3A_241, %dma_start3A_242] : memref<12500x8x20xf32, #tpu.memory_space<hbm>> -> memref<1x8x20xf32, #tpu.memory_space<hbm>>
      %dma_start3A_244 = tpu.memref_squeeze %dma_start3A_243 : memref<1x8x20xf32, #tpu.memory_space<hbm>> -> memref<8x20xf32, #tpu.memory_space<hbm>>
      tpu.enqueue_dma source(%dma_start3A_244 : memref<8x20xf32, #tpu.memory_space<hbm>>) target(%dma_start3A_240 : memref<8x20xf32, #tpu.memory_space<vmem>>) target_semaphore(%arg19 : memref<!tpu.dma_semaphore, #tpu.memory_space<semaphore_mem>>)
      %slice3A_245 = vector.extract_strided_slice %gather3A {offsets = [11], sizes = [1], strides = [1]} : vector<16xi32> to vector<1xi32>
      %squeeze3A_246 = vector.extract %slice3A_245[0] : i32 from vector<1xi32>
      %shift_right_arithmetic3A_247 = arith.constant 3 : i32
      %shift_right_arithmetic3A_248 = arith.shrsi %squeeze3A_246, %shift_right_arithmetic3A_247 : i32
      %dma_start3A_249 = arith.constant 11 : i32
      %dma_start3A_250 = arith.constant 0 : i32
      %dma_start3A_251 = arith.constant 0 : i32
      %dma_start3A_252 = tpu.memref_slice %arg11[%dma_start3A_249, %dma_start3A_250, %dma_start3A_251] : memref<16x8x20xf32, #tpu.memory_space<vmem>> -> memref<1x8x20xf32, #tpu.memory_space<vmem>>
      %dma_start3A_253 = tpu.memref_squeeze %dma_start3A_252 : memref<1x8x20xf32, #tpu.memory_space<vmem>> -> memref<8x20xf32, #tpu.memory_space<vmem>>
      %dma_start3A_254 = arith.constant 0 : i32
      %dma_start3A_255 = arith.constant 0 : i32
      %dma_start3A_256 = tpu.memref_slice %arg3[%shift_right_arithmetic3A_248, %dma_start3A_254, %dma_start3A_255] : memref<12500x8x20xf32, #tpu.memory_space<hbm>> -> memref<1x8x20xf32, #tpu.memory_space<hbm>>
      %dma_start3A_257 = tpu.memref_squeeze %dma_start3A_256 : memref<1x8x20xf32, #tpu.memory_space<hbm>> -> memref<8x20xf32, #tpu.memory_space<hbm>>
      %dma_start3A_258 = arith.constant 0 : i32
      %dma_start3A_259 = arith.constant 0 : i32
      %dma_start3A_260 = tpu.memref_slice %arg11[%dma_start3A_249, %dma_start3A_258, %dma_start3A_259] : memref<16x8x20xf32, #tpu.memory_space<vmem>> -> memref<1x8x20xf32, #tpu.memory_space<vmem>>
      %dma_start3A_261 = tpu.memref_squeeze %dma_start3A_260 : memref<1x8x20xf32, #tpu.memory_space<vmem>> -> memref<8x20xf32, #tpu.memory_space<vmem>>
      %dma_start3A_262 = arith.constant 0 : i32
      %dma_start3A_263 = arith.constant 0 : i32
      %dma_start3A_264 = tpu.memref_slice %arg3[%shift_right_arithmetic3A_248, %dma_start3A_262, %dma_start3A_263] : memref<12500x8x20xf32, #tpu.memory_space<hbm>> -> memref<1x8x20xf32, #tpu.memory_space<hbm>>
      %dma_start3A_265 = tpu.memref_squeeze %dma_start3A_264 : memref<1x8x20xf32, #tpu.memory_space<hbm>> -> memref<8x20xf32, #tpu.memory_space<hbm>>
      tpu.enqueue_dma source(%dma_start3A_265 : memref<8x20xf32, #tpu.memory_space<hbm>>) target(%dma_start3A_261 : memref<8x20xf32, #tpu.memory_space<vmem>>) target_semaphore(%arg19 : memref<!tpu.dma_semaphore, #tpu.memory_space<semaphore_mem>>)
      %slice3A_266 = vector.extract_strided_slice %gather3A {offsets = [12], sizes = [1], strides = [1]} : vector<16xi32> to vector<1xi32>
      %squeeze3A_267 = vector.extract %slice3A_266[0] : i32 from vector<1xi32>
      %shift_right_arithmetic3A_268 = arith.constant 3 : i32
      %shift_right_arithmetic3A_269 = arith.shrsi %squeeze3A_267, %shift_right_arithmetic3A_268 : i32
      %dma_start3A_270 = arith.constant 12 : i32
      %dma_start3A_271 = arith.constant 0 : i32
      %dma_start3A_272 = arith.constant 0 : i32
      %dma_start3A_273 = tpu.memref_slice %arg11[%dma_start3A_270, %dma_start3A_271, %dma_start3A_272] : memref<16x8x20xf32, #tpu.memory_space<vmem>> -> memref<1x8x20xf32, #tpu.memory_space<vmem>>
      %dma_start3A_274 = tpu.memref_squeeze %dma_start3A_273 : memref<1x8x20xf32, #tpu.memory_space<vmem>> -> memref<8x20xf32, #tpu.memory_space<vmem>>
      %dma_start3A_275 = arith.constant 0 : i32
      %dma_start3A_276 = arith.constant 0 : i32
      %dma_start3A_277 = tpu.memref_slice %arg3[%shift_right_arithmetic3A_269, %dma_start3A_275, %dma_start3A_276] : memref<12500x8x20xf32, #tpu.memory_space<hbm>> -> memref<1x8x20xf32, #tpu.memory_space<hbm>>
      %dma_start3A_278 = tpu.memref_squeeze %dma_start3A_277 : memref<1x8x20xf32, #tpu.memory_space<hbm>> -> memref<8x20xf32, #tpu.memory_space<hbm>>
      %dma_start3A_279 = arith.constant 0 : i32
      %dma_start3A_280 = arith.constant 0 : i32
      %dma_start3A_281 = tpu.memref_slice %arg11[%dma_start3A_270, %dma_start3A_279, %dma_start3A_280] : memref<16x8x20xf32, #tpu.memory_space<vmem>> -> memref<1x8x20xf32, #tpu.memory_space<vmem>>
      %dma_start3A_282 = tpu.memref_squeeze %dma_start3A_281 : memref<1x8x20xf32, #tpu.memory_space<vmem>> -> memref<8x20xf32, #tpu.memory_space<vmem>>
      %dma_start3A_283 = arith.constant 0 : i32
      %dma_start3A_284 = arith.constant 0 : i32
      %dma_start3A_285 = tpu.memref_slice %arg3[%shift_right_arithmetic3A_269, %dma_start3A_283, %dma_start3A_284] : memref<12500x8x20xf32, #tpu.memory_space<hbm>> -> memref<1x8x20xf32, #tpu.memory_space<hbm>>
      %dma_start3A_286 = tpu.memref_squeeze %dma_start3A_285 : memref<1x8x20xf32, #tpu.memory_space<hbm>> -> memref<8x20xf32, #tpu.memory_space<hbm>>
      tpu.enqueue_dma source(%dma_start3A_286 : memref<8x20xf32, #tpu.memory_space<hbm>>) target(%dma_start3A_282 : memref<8x20xf32, #tpu.memory_space<vmem>>) target_semaphore(%arg19 : memref<!tpu.dma_semaphore, #tpu.memory_space<semaphore_mem>>)
      %slice3A_287 = vector.extract_strided_slice %gather3A {offsets = [13], sizes = [1], strides = [1]} : vector<16xi32> to vector<1xi32>
      %squeeze3A_288 = vector.extract %slice3A_287[0] : i32 from vector<1xi32>
      %shift_right_arithmetic3A_289 = arith.constant 3 : i32
      %shift_right_arithmetic3A_290 = arith.shrsi %squeeze3A_288, %shift_right_arithmetic3A_289 : i32
      %dma_start3A_291 = arith.constant 13 : i32
      %dma_start3A_292 = arith.constant 0 : i32
      %dma_start3A_293 = arith.constant 0 : i32
      %dma_start3A_294 = tpu.memref_slice %arg11[%dma_start3A_291, %dma_start3A_292, %dma_start3A_293] : memref<16x8x20xf32, #tpu.memory_space<vmem>> -> memref<1x8x20xf32, #tpu.memory_space<vmem>>
      %dma_start3A_295 = tpu.memref_squeeze %dma_start3A_294 : memref<1x8x20xf32, #tpu.memory_space<vmem>> -> memref<8x20xf32, #tpu.memory_space<vmem>>
      %dma_start3A_296 = arith.constant 0 : i32
      %dma_start3A_297 = arith.constant 0 : i32
      %dma_start3A_298 = tpu.memref_slice %arg3[%shift_right_arithmetic3A_290, %dma_start3A_296, %dma_start3A_297] : memref<12500x8x20xf32, #tpu.memory_space<hbm>> -> memref<1x8x20xf32, #tpu.memory_space<hbm>>
      %dma_start3A_299 = tpu.memref_squeeze %dma_start3A_298 : memref<1x8x20xf32, #tpu.memory_space<hbm>> -> memref<8x20xf32, #tpu.memory_space<hbm>>
      %dma_start3A_300 = arith.constant 0 : i32
      %dma_start3A_301 = arith.constant 0 : i32
      %dma_start3A_302 = tpu.memref_slice %arg11[%dma_start3A_291, %dma_start3A_300, %dma_start3A_301] : memref<16x8x20xf32, #tpu.memory_space<vmem>> -> memref<1x8x20xf32, #tpu.memory_space<vmem>>
      %dma_start3A_303 = tpu.memref_squeeze %dma_start3A_302 : memref<1x8x20xf32, #tpu.memory_space<vmem>> -> memref<8x20xf32, #tpu.memory_space<vmem>>
      %dma_start3A_304 = arith.constant 0 : i32
      %dma_start3A_305 = arith.constant 0 : i32
      %dma_start3A_306 = tpu.memref_slice %arg3[%shift_right_arithmetic3A_290, %dma_start3A_304, %dma_start3A_305] : memref<12500x8x20xf32, #tpu.memory_space<hbm>> -> memref<1x8x20xf32, #tpu.memory_space<hbm>>
      %dma_start3A_307 = tpu.memref_squeeze %dma_start3A_306 : memref<1x8x20xf32, #tpu.memory_space<hbm>> -> memref<8x20xf32, #tpu.memory_space<hbm>>
      tpu.enqueue_dma source(%dma_start3A_307 : memref<8x20xf32, #tpu.memory_space<hbm>>) target(%dma_start3A_303 : memref<8x20xf32, #tpu.memory_space<vmem>>) target_semaphore(%arg19 : memref<!tpu.dma_semaphore, #tpu.memory_space<semaphore_mem>>)
      %slice3A_308 = vector.extract_strided_slice %gather3A {offsets = [14], sizes = [1], strides = [1]} : vector<16xi32> to vector<1xi32>
      %squeeze3A_309 = vector.extract %slice3A_308[0] : i32 from vector<1xi32>
      %shift_right_arithmetic3A_310 = arith.constant 3 : i32
      %shift_right_arithmetic3A_311 = arith.shrsi %squeeze3A_309, %shift_right_arithmetic3A_310 : i32
      %dma_start3A_312 = arith.constant 14 : i32
      %dma_start3A_313 = arith.constant 0 : i32
      %dma_start3A_314 = arith.constant 0 : i32
      %dma_start3A_315 = tpu.memref_slice %arg11[%dma_start3A_312, %dma_start3A_313, %dma_start3A_314] : memref<16x8x20xf32, #tpu.memory_space<vmem>> -> memref<1x8x20xf32, #tpu.memory_space<vmem>>
      %dma_start3A_316 = tpu.memref_squeeze %dma_start3A_315 : memref<1x8x20xf32, #tpu.memory_space<vmem>> -> memref<8x20xf32, #tpu.memory_space<vmem>>
      %dma_start3A_317 = arith.constant 0 : i32
      %dma_start3A_318 = arith.constant 0 : i32
      %dma_start3A_319 = tpu.memref_slice %arg3[%shift_right_arithmetic3A_311, %dma_start3A_317, %dma_start3A_318] : memref<12500x8x20xf32, #tpu.memory_space<hbm>> -> memref<1x8x20xf32, #tpu.memory_space<hbm>>
      %dma_start3A_320 = tpu.memref_squeeze %dma_start3A_319 : memref<1x8x20xf32, #tpu.memory_space<hbm>> -> memref<8x20xf32, #tpu.memory_space<hbm>>
      %dma_start3A_321 = arith.constant 0 : i32
      %dma_start3A_322 = arith.constant 0 : i32
      %dma_start3A_323 = tpu.memref_slice %arg11[%dma_start3A_312, %dma_start3A_321, %dma_start3A_322] : memref<16x8x20xf32, #tpu.memory_space<vmem>> -> memref<1x8x20xf32, #tpu.memory_space<vmem>>
      %dma_start3A_324 = tpu.memref_squeeze %dma_start3A_323 : memref<1x8x20xf32, #tpu.memory_space<vmem>> -> memref<8x20xf32, #tpu.memory_space<vmem>>
      %dma_start3A_325 = arith.constant 0 : i32
      %dma_start3A_326 = arith.constant 0 : i32
      %dma_start3A_327 = tpu.memref_slice %arg3[%shift_right_arithmetic3A_311, %dma_start3A_325, %dma_start3A_326] : memref<12500x8x20xf32, #tpu.memory_space<hbm>> -> memref<1x8x20xf32, #tpu.memory_space<hbm>>
      %dma_start3A_328 = tpu.memref_squeeze %dma_start3A_327 : memref<1x8x20xf32, #tpu.memory_space<hbm>> -> memref<8x20xf32, #tpu.memory_space<hbm>>
      tpu.enqueue_dma source(%dma_start3A_328 : memref<8x20xf32, #tpu.memory_space<hbm>>) target(%dma_start3A_324 : memref<8x20xf32, #tpu.memory_space<vmem>>) target_semaphore(%arg19 : memref<!tpu.dma_semaphore, #tpu.memory_space<semaphore_mem>>)
      %slice3A_329 = vector.extract_strided_slice %gather3A {offsets = [15], sizes = [1], strides = [1]} : vector<16xi32> to vector<1xi32>
      %squeeze3A_330 = vector.extract %slice3A_329[0] : i32 from vector<1xi32>
      %shift_right_arithmetic3A_331 = arith.constant 3 : i32
      %shift_right_arithmetic3A_332 = arith.shrsi %squeeze3A_330, %shift_right_arithmetic3A_331 : i32
      %dma_start3A_333 = arith.constant 15 : i32
      %dma_start3A_334 = arith.constant 0 : i32
      %dma_start3A_335 = arith.constant 0 : i32
      %dma_start3A_336 = tpu.memref_slice %arg11[%dma_start3A_333, %dma_start3A_334, %dma_start3A_335] : memref<16x8x20xf32, #tpu.memory_space<vmem>> -> memref<1x8x20xf32, #tpu.memory_space<vmem>>
      %dma_start3A_337 = tpu.memref_squeeze %dma_start3A_336 : memref<1x8x20xf32, #tpu.memory_space<vmem>> -> memref<8x20xf32, #tpu.memory_space<vmem>>
      %dma_start3A_338 = arith.constant 0 : i32
      %dma_start3A_339 = arith.constant 0 : i32
      %dma_start3A_340 = tpu.memref_slice %arg3[%shift_right_arithmetic3A_332, %dma_start3A_338, %dma_start3A_339] : memref<12500x8x20xf32, #tpu.memory_space<hbm>> -> memref<1x8x20xf32, #tpu.memory_space<hbm>>
      %dma_start3A_341 = tpu.memref_squeeze %dma_start3A_340 : memref<1x8x20xf32, #tpu.memory_space<hbm>> -> memref<8x20xf32, #tpu.memory_space<hbm>>
      %dma_start3A_342 = arith.constant 0 : i32
      %dma_start3A_343 = arith.constant 0 : i32
      %dma_start3A_344 = tpu.memref_slice %arg11[%dma_start3A_333, %dma_start3A_342, %dma_start3A_343] : memref<16x8x20xf32, #tpu.memory_space<vmem>> -> memref<1x8x20xf32, #tpu.memory_space<vmem>>
      %dma_start3A_345 = tpu.memref_squeeze %dma_start3A_344 : memref<1x8x20xf32, #tpu.memory_space<vmem>> -> memref<8x20xf32, #tpu.memory_space<vmem>>
      %dma_start3A_346 = arith.constant 0 : i32
      %dma_start3A_347 = arith.constant 0 : i32
      %dma_start3A_348 = tpu.memref_slice %arg3[%shift_right_arithmetic3A_332, %dma_start3A_346, %dma_start3A_347] : memref<12500x8x20xf32, #tpu.memory_space<hbm>> -> memref<1x8x20xf32, #tpu.memory_space<hbm>>
      %dma_start3A_349 = tpu.memref_squeeze %dma_start3A_348 : memref<1x8x20xf32, #tpu.memory_space<hbm>> -> memref<8x20xf32, #tpu.memory_space<hbm>>
      tpu.enqueue_dma source(%dma_start3A_349 : memref<8x20xf32, #tpu.memory_space<hbm>>) target(%dma_start3A_345 : memref<8x20xf32, #tpu.memory_space<vmem>>) target_semaphore(%arg19 : memref<!tpu.dma_semaphore, #tpu.memory_space<semaphore_mem>>)
      "tpu.region"() ({
        %run_scoped3A = tpu.sem_alloc : memref<!tpu.dma_semaphore, #tpu.memory_space<semaphore_mem>>
        tpu.enqueue_dma source(%arg4 : memref<60x20xf32, #tpu.memory_space<hbm>>) target(%arg12 : memref<60x20xf32, #tpu.memory_space<vmem>>) target_semaphore(%run_scoped3A : memref<!tpu.dma_semaphore, #tpu.memory_space<semaphore_mem>>)
        tpu.wait_dma2 semaphore(%run_scoped3A : memref<!tpu.dma_semaphore, #tpu.memory_space<semaphore_mem>>) src(%arg4 : memref<60x20xf32, #tpu.memory_space<hbm>>) dst(%arg12 : memref<60x20xf32, #tpu.memory_space<vmem>>)
        tpu.yield
      }) : () -> ()
      "tpu.region"() ({
        %run_scoped3A = tpu.sem_alloc : memref<!tpu.dma_semaphore, #tpu.memory_space<semaphore_mem>>
        tpu.enqueue_dma source(%arg5 : memref<60xf32, #tpu.memory_space<hbm>>) target(%arg13 : memref<60xf32, #tpu.memory_space<vmem>>) target_semaphore(%run_scoped3A : memref<!tpu.dma_semaphore, #tpu.memory_space<semaphore_mem>>)
        tpu.wait_dma2 semaphore(%run_scoped3A : memref<!tpu.dma_semaphore, #tpu.memory_space<semaphore_mem>>) src(%arg5 : memref<60xf32, #tpu.memory_space<hbm>>) dst(%arg13 : memref<60xf32, #tpu.memory_space<vmem>>)
        tpu.yield
      }) : () -> ()
      "tpu.region"() ({
        %run_scoped3A = tpu.sem_alloc : memref<!tpu.dma_semaphore, #tpu.memory_space<semaphore_mem>>
        tpu.enqueue_dma source(%arg6 : memref<1x3000xf32, #tpu.memory_space<hbm>>) target(%arg14 : memref<1x3000xf32, #tpu.memory_space<vmem>>) target_semaphore(%run_scoped3A : memref<!tpu.dma_semaphore, #tpu.memory_space<semaphore_mem>>)
        tpu.wait_dma2 semaphore(%run_scoped3A : memref<!tpu.dma_semaphore, #tpu.memory_space<semaphore_mem>>) src(%arg6 : memref<1x3000xf32, #tpu.memory_space<hbm>>) dst(%arg14 : memref<1x3000xf32, #tpu.memory_space<vmem>>)
        tpu.yield
      }) : () -> ()
      %dma_wait3A = arith.constant 0 : i32
      %dma_wait3A_350 = arith.constant 0 : i32
      %dma_wait3A_351 = arith.constant 0 : i32
      %dma_wait3A_352 = tpu.memref_slice %arg11[%dma_wait3A, %dma_wait3A_350, %dma_wait3A_351] : memref<16x8x20xf32, #tpu.memory_space<vmem>> -> memref<1x8x20xf32, #tpu.memory_space<vmem>>
      %dma_wait3A_353 = tpu.memref_squeeze %dma_wait3A_352 : memref<1x8x20xf32, #tpu.memory_space<vmem>> -> memref<8x20xf32, #tpu.memory_space<vmem>>
      %dma_wait3A_354 = arith.constant 0 : i32
      %dma_wait3A_355 = arith.constant 0 : i32
      %dma_wait3A_356 = tpu.memref_slice %arg3[%shift_right_arithmetic3A_18, %dma_wait3A_354, %dma_wait3A_355] : memref<12500x8x20xf32, #tpu.memory_space<hbm>> -> memref<1x8x20xf32, #tpu.memory_space<hbm>>
      %dma_wait3A_357 = tpu.memref_squeeze %dma_wait3A_356 : memref<1x8x20xf32, #tpu.memory_space<hbm>> -> memref<8x20xf32, #tpu.memory_space<hbm>>
      %dma_wait3A_358 = arith.constant 0 : i32
      %dma_wait3A_359 = arith.constant 0 : i32
      %dma_wait3A_360 = tpu.memref_slice %arg11[%dma_wait3A, %dma_wait3A_358, %dma_wait3A_359] : memref<16x8x20xf32, #tpu.memory_space<vmem>> -> memref<1x8x20xf32, #tpu.memory_space<vmem>>
      %dma_wait3A_361 = tpu.memref_squeeze %dma_wait3A_360 : memref<1x8x20xf32, #tpu.memory_space<vmem>> -> memref<8x20xf32, #tpu.memory_space<vmem>>
      %dma_wait3A_362 = arith.constant 0 : i32
      %dma_wait3A_363 = arith.constant 0 : i32
      %dma_wait3A_364 = tpu.memref_slice %arg3[%shift_right_arithmetic3A_18, %dma_wait3A_362, %dma_wait3A_363] : memref<12500x8x20xf32, #tpu.memory_space<hbm>> -> memref<1x8x20xf32, #tpu.memory_space<hbm>>
      %dma_wait3A_365 = tpu.memref_squeeze %dma_wait3A_364 : memref<1x8x20xf32, #tpu.memory_space<hbm>> -> memref<8x20xf32, #tpu.memory_space<hbm>>
      tpu.wait_dma2 semaphore(%arg19 : memref<!tpu.dma_semaphore, #tpu.memory_space<semaphore_mem>>) src(%dma_wait3A_365 : memref<8x20xf32, #tpu.memory_space<hbm>>) dst(%dma_wait3A_361 : memref<8x20xf32, #tpu.memory_space<vmem>>)
      %dma_wait3A_366 = arith.constant 1 : i32
      %dma_wait3A_367 = arith.constant 0 : i32
      %dma_wait3A_368 = arith.constant 0 : i32
      %dma_wait3A_369 = tpu.memref_slice %arg11[%dma_wait3A_366, %dma_wait3A_367, %dma_wait3A_368] : memref<16x8x20xf32, #tpu.memory_space<vmem>> -> memref<1x8x20xf32, #tpu.memory_space<vmem>>
      %dma_wait3A_370 = tpu.memref_squeeze %dma_wait3A_369 : memref<1x8x20xf32, #tpu.memory_space<vmem>> -> memref<8x20xf32, #tpu.memory_space<vmem>>
      %dma_wait3A_371 = arith.constant 0 : i32
      %dma_wait3A_372 = arith.constant 0 : i32
      %dma_wait3A_373 = tpu.memref_slice %arg3[%shift_right_arithmetic3A_38, %dma_wait3A_371, %dma_wait3A_372] : memref<12500x8x20xf32, #tpu.memory_space<hbm>> -> memref<1x8x20xf32, #tpu.memory_space<hbm>>
      %dma_wait3A_374 = tpu.memref_squeeze %dma_wait3A_373 : memref<1x8x20xf32, #tpu.memory_space<hbm>> -> memref<8x20xf32, #tpu.memory_space<hbm>>
      %dma_wait3A_375 = arith.constant 0 : i32
      %dma_wait3A_376 = arith.constant 0 : i32
      %dma_wait3A_377 = tpu.memref_slice %arg11[%dma_wait3A_366, %dma_wait3A_375, %dma_wait3A_376] : memref<16x8x20xf32, #tpu.memory_space<vmem>> -> memref<1x8x20xf32, #tpu.memory_space<vmem>>
      %dma_wait3A_378 = tpu.memref_squeeze %dma_wait3A_377 : memref<1x8x20xf32, #tpu.memory_space<vmem>> -> memref<8x20xf32, #tpu.memory_space<vmem>>
      %dma_wait3A_379 = arith.constant 0 : i32
      %dma_wait3A_380 = arith.constant 0 : i32
      %dma_wait3A_381 = tpu.memref_slice %arg3[%shift_right_arithmetic3A_38, %dma_wait3A_379, %dma_wait3A_380] : memref<12500x8x20xf32, #tpu.memory_space<hbm>> -> memref<1x8x20xf32, #tpu.memory_space<hbm>>
      %dma_wait3A_382 = tpu.memref_squeeze %dma_wait3A_381 : memref<1x8x20xf32, #tpu.memory_space<hbm>> -> memref<8x20xf32, #tpu.memory_space<hbm>>
      tpu.wait_dma2 semaphore(%arg19 : memref<!tpu.dma_semaphore, #tpu.memory_space<semaphore_mem>>) src(%dma_wait3A_382 : memref<8x20xf32, #tpu.memory_space<hbm>>) dst(%dma_wait3A_378 : memref<8x20xf32, #tpu.memory_space<vmem>>)
      %dma_wait3A_383 = arith.constant 2 : i32
      %dma_wait3A_384 = arith.constant 0 : i32
      %dma_wait3A_385 = arith.constant 0 : i32
      %dma_wait3A_386 = tpu.memref_slice %arg11[%dma_wait3A_383, %dma_wait3A_384, %dma_wait3A_385] : memref<16x8x20xf32, #tpu.memory_space<vmem>> -> memref<1x8x20xf32, #tpu.memory_space<vmem>>
      %dma_wait3A_387 = tpu.memref_squeeze %dma_wait3A_386 : memref<1x8x20xf32, #tpu.memory_space<vmem>> -> memref<8x20xf32, #tpu.memory_space<vmem>>
      %dma_wait3A_388 = arith.constant 0 : i32
      %dma_wait3A_389 = arith.constant 0 : i32
      %dma_wait3A_390 = tpu.memref_slice %arg3[%shift_right_arithmetic3A_59, %dma_wait3A_388, %dma_wait3A_389] : memref<12500x8x20xf32, #tpu.memory_space<hbm>> -> memref<1x8x20xf32, #tpu.memory_space<hbm>>
      %dma_wait3A_391 = tpu.memref_squeeze %dma_wait3A_390 : memref<1x8x20xf32, #tpu.memory_space<hbm>> -> memref<8x20xf32, #tpu.memory_space<hbm>>
      %dma_wait3A_392 = arith.constant 0 : i32
      %dma_wait3A_393 = arith.constant 0 : i32
      %dma_wait3A_394 = tpu.memref_slice %arg11[%dma_wait3A_383, %dma_wait3A_392, %dma_wait3A_393] : memref<16x8x20xf32, #tpu.memory_space<vmem>> -> memref<1x8x20xf32, #tpu.memory_space<vmem>>
      %dma_wait3A_395 = tpu.memref_squeeze %dma_wait3A_394 : memref<1x8x20xf32, #tpu.memory_space<vmem>> -> memref<8x20xf32, #tpu.memory_space<vmem>>
      %dma_wait3A_396 = arith.constant 0 : i32
      %dma_wait3A_397 = arith.constant 0 : i32
      %dma_wait3A_398 = tpu.memref_slice %arg3[%shift_right_arithmetic3A_59, %dma_wait3A_396, %dma_wait3A_397] : memref<12500x8x20xf32, #tpu.memory_space<hbm>> -> memref<1x8x20xf32, #tpu.memory_space<hbm>>
      %dma_wait3A_399 = tpu.memref_squeeze %dma_wait3A_398 : memref<1x8x20xf32, #tpu.memory_space<hbm>> -> memref<8x20xf32, #tpu.memory_space<hbm>>
      tpu.wait_dma2 semaphore(%arg19 : memref<!tpu.dma_semaphore, #tpu.memory_space<semaphore_mem>>) src(%dma_wait3A_399 : memref<8x20xf32, #tpu.memory_space<hbm>>) dst(%dma_wait3A_395 : memref<8x20xf32, #tpu.memory_space<vmem>>)
      %dma_wait3A_400 = arith.constant 3 : i32
      %dma_wait3A_401 = arith.constant 0 : i32
      %dma_wait3A_402 = arith.constant 0 : i32
      %dma_wait3A_403 = tpu.memref_slice %arg11[%dma_wait3A_400, %dma_wait3A_401, %dma_wait3A_402] : memref<16x8x20xf32, #tpu.memory_space<vmem>> -> memref<1x8x20xf32, #tpu.memory_space<vmem>>
      %dma_wait3A_404 = tpu.memref_squeeze %dma_wait3A_403 : memref<1x8x20xf32, #tpu.memory_space<vmem>> -> memref<8x20xf32, #tpu.memory_space<vmem>>
      %dma_wait3A_405 = arith.constant 0 : i32
      %dma_wait3A_406 = arith.constant 0 : i32
      %dma_wait3A_407 = tpu.memref_slice %arg3[%shift_right_arithmetic3A_80, %dma_wait3A_405, %dma_wait3A_406] : memref<12500x8x20xf32, #tpu.memory_space<hbm>> -> memref<1x8x20xf32, #tpu.memory_space<hbm>>
      %dma_wait3A_408 = tpu.memref_squeeze %dma_wait3A_407 : memref<1x8x20xf32, #tpu.memory_space<hbm>> -> memref<8x20xf32, #tpu.memory_space<hbm>>
      %dma_wait3A_409 = arith.constant 0 : i32
      %dma_wait3A_410 = arith.constant 0 : i32
      %dma_wait3A_411 = tpu.memref_slice %arg11[%dma_wait3A_400, %dma_wait3A_409, %dma_wait3A_410] : memref<16x8x20xf32, #tpu.memory_space<vmem>> -> memref<1x8x20xf32, #tpu.memory_space<vmem>>
      %dma_wait3A_412 = tpu.memref_squeeze %dma_wait3A_411 : memref<1x8x20xf32, #tpu.memory_space<vmem>> -> memref<8x20xf32, #tpu.memory_space<vmem>>
      %dma_wait3A_413 = arith.constant 0 : i32
      %dma_wait3A_414 = arith.constant 0 : i32
      %dma_wait3A_415 = tpu.memref_slice %arg3[%shift_right_arithmetic3A_80, %dma_wait3A_413, %dma_wait3A_414] : memref<12500x8x20xf32, #tpu.memory_space<hbm>> -> memref<1x8x20xf32, #tpu.memory_space<hbm>>
      %dma_wait3A_416 = tpu.memref_squeeze %dma_wait3A_415 : memref<1x8x20xf32, #tpu.memory_space<hbm>> -> memref<8x20xf32, #tpu.memory_space<hbm>>
      tpu.wait_dma2 semaphore(%arg19 : memref<!tpu.dma_semaphore, #tpu.memory_space<semaphore_mem>>) src(%dma_wait3A_416 : memref<8x20xf32, #tpu.memory_space<hbm>>) dst(%dma_wait3A_412 : memref<8x20xf32, #tpu.memory_space<vmem>>)
      %dma_wait3A_417 = arith.constant 4 : i32
      %dma_wait3A_418 = arith.constant 0 : i32
      %dma_wait3A_419 = arith.constant 0 : i32
      %dma_wait3A_420 = tpu.memref_slice %arg11[%dma_wait3A_417, %dma_wait3A_418, %dma_wait3A_419] : memref<16x8x20xf32, #tpu.memory_space<vmem>> -> memref<1x8x20xf32, #tpu.memory_space<vmem>>
      %dma_wait3A_421 = tpu.memref_squeeze %dma_wait3A_420 : memref<1x8x20xf32, #tpu.memory_space<vmem>> -> memref<8x20xf32, #tpu.memory_space<vmem>>
      %dma_wait3A_422 = arith.constant 0 : i32
      %dma_wait3A_423 = arith.constant 0 : i32
      %dma_wait3A_424 = tpu.memref_slice %arg3[%shift_right_arithmetic3A_101, %dma_wait3A_422, %dma_wait3A_423] : memref<12500x8x20xf32, #tpu.memory_space<hbm>> -> memref<1x8x20xf32, #tpu.memory_space<hbm>>
      %dma_wait3A_425 = tpu.memref_squeeze %dma_wait3A_424 : memref<1x8x20xf32, #tpu.memory_space<hbm>> -> memref<8x20xf32, #tpu.memory_space<hbm>>
      %dma_wait3A_426 = arith.constant 0 : i32
      %dma_wait3A_427 = arith.constant 0 : i32
      %dma_wait3A_428 = tpu.memref_slice %arg11[%dma_wait3A_417, %dma_wait3A_426, %dma_wait3A_427] : memref<16x8x20xf32, #tpu.memory_space<vmem>> -> memref<1x8x20xf32, #tpu.memory_space<vmem>>
      %dma_wait3A_429 = tpu.memref_squeeze %dma_wait3A_428 : memref<1x8x20xf32, #tpu.memory_space<vmem>> -> memref<8x20xf32, #tpu.memory_space<vmem>>
      %dma_wait3A_430 = arith.constant 0 : i32
      %dma_wait3A_431 = arith.constant 0 : i32
      %dma_wait3A_432 = tpu.memref_slice %arg3[%shift_right_arithmetic3A_101, %dma_wait3A_430, %dma_wait3A_431] : memref<12500x8x20xf32, #tpu.memory_space<hbm>> -> memref<1x8x20xf32, #tpu.memory_space<hbm>>
      %dma_wait3A_433 = tpu.memref_squeeze %dma_wait3A_432 : memref<1x8x20xf32, #tpu.memory_space<hbm>> -> memref<8x20xf32, #tpu.memory_space<hbm>>
      tpu.wait_dma2 semaphore(%arg19 : memref<!tpu.dma_semaphore, #tpu.memory_space<semaphore_mem>>) src(%dma_wait3A_433 : memref<8x20xf32, #tpu.memory_space<hbm>>) dst(%dma_wait3A_429 : memref<8x20xf32, #tpu.memory_space<vmem>>)
      %dma_wait3A_434 = arith.constant 5 : i32
      %dma_wait3A_435 = arith.constant 0 : i32
      %dma_wait3A_436 = arith.constant 0 : i32
      %dma_wait3A_437 = tpu.memref_slice %arg11[%dma_wait3A_434, %dma_wait3A_435, %dma_wait3A_436] : memref<16x8x20xf32, #tpu.memory_space<vmem>> -> memref<1x8x20xf32, #tpu.memory_space<vmem>>
      %dma_wait3A_438 = tpu.memref_squeeze %dma_wait3A_437 : memref<1x8x20xf32, #tpu.memory_space<vmem>> -> memref<8x20xf32, #tpu.memory_space<vmem>>
      %dma_wait3A_439 = arith.constant 0 : i32
      %dma_wait3A_440 = arith.constant 0 : i32
      %dma_wait3A_441 = tpu.memref_slice %arg3[%shift_right_arithmetic3A_122, %dma_wait3A_439, %dma_wait3A_440] : memref<12500x8x20xf32, #tpu.memory_space<hbm>> -> memref<1x8x20xf32, #tpu.memory_space<hbm>>
      %dma_wait3A_442 = tpu.memref_squeeze %dma_wait3A_441 : memref<1x8x20xf32, #tpu.memory_space<hbm>> -> memref<8x20xf32, #tpu.memory_space<hbm>>
      %dma_wait3A_443 = arith.constant 0 : i32
      %dma_wait3A_444 = arith.constant 0 : i32
      %dma_wait3A_445 = tpu.memref_slice %arg11[%dma_wait3A_434, %dma_wait3A_443, %dma_wait3A_444] : memref<16x8x20xf32, #tpu.memory_space<vmem>> -> memref<1x8x20xf32, #tpu.memory_space<vmem>>
      %dma_wait3A_446 = tpu.memref_squeeze %dma_wait3A_445 : memref<1x8x20xf32, #tpu.memory_space<vmem>> -> memref<8x20xf32, #tpu.memory_space<vmem>>
      %dma_wait3A_447 = arith.constant 0 : i32
      %dma_wait3A_448 = arith.constant 0 : i32
      %dma_wait3A_449 = tpu.memref_slice %arg3[%shift_right_arithmetic3A_122, %dma_wait3A_447, %dma_wait3A_448] : memref<12500x8x20xf32, #tpu.memory_space<hbm>> -> memref<1x8x20xf32, #tpu.memory_space<hbm>>
      %dma_wait3A_450 = tpu.memref_squeeze %dma_wait3A_449 : memref<1x8x20xf32, #tpu.memory_space<hbm>> -> memref<8x20xf32, #tpu.memory_space<hbm>>
      tpu.wait_dma2 semaphore(%arg19 : memref<!tpu.dma_semaphore, #tpu.memory_space<semaphore_mem>>) src(%dma_wait3A_450 : memref<8x20xf32, #tpu.memory_space<hbm>>) dst(%dma_wait3A_446 : memref<8x20xf32, #tpu.memory_space<vmem>>)
      %dma_wait3A_451 = arith.constant 6 : i32
      %dma_wait3A_452 = arith.constant 0 : i32
      %dma_wait3A_453 = arith.constant 0 : i32
      %dma_wait3A_454 = tpu.memref_slice %arg11[%dma_wait3A_451, %dma_wait3A_452, %dma_wait3A_453] : memref<16x8x20xf32, #tpu.memory_space<vmem>> -> memref<1x8x20xf32, #tpu.memory_space<vmem>>
      %dma_wait3A_455 = tpu.memref_squeeze %dma_wait3A_454 : memref<1x8x20xf32, #tpu.memory_space<vmem>> -> memref<8x20xf32, #tpu.memory_space<vmem>>
      %dma_wait3A_456 = arith.constant 0 : i32
      %dma_wait3A_457 = arith.constant 0 : i32
      %dma_wait3A_458 = tpu.memref_slice %arg3[%shift_right_arithmetic3A_143, %dma_wait3A_456, %dma_wait3A_457] : memref<12500x8x20xf32, #tpu.memory_space<hbm>> -> memref<1x8x20xf32, #tpu.memory_space<hbm>>
      %dma_wait3A_459 = tpu.memref_squeeze %dma_wait3A_458 : memref<1x8x20xf32, #tpu.memory_space<hbm>> -> memref<8x20xf32, #tpu.memory_space<hbm>>
      %dma_wait3A_460 = arith.constant 0 : i32
      %dma_wait3A_461 = arith.constant 0 : i32
      %dma_wait3A_462 = tpu.memref_slice %arg11[%dma_wait3A_451, %dma_wait3A_460, %dma_wait3A_461] : memref<16x8x20xf32, #tpu.memory_space<vmem>> -> memref<1x8x20xf32, #tpu.memory_space<vmem>>
      %dma_wait3A_463 = tpu.memref_squeeze %dma_wait3A_462 : memref<1x8x20xf32, #tpu.memory_space<vmem>> -> memref<8x20xf32, #tpu.memory_space<vmem>>
      %dma_wait3A_464 = arith.constant 0 : i32
      %dma_wait3A_465 = arith.constant 0 : i32
      %dma_wait3A_466 = tpu.memref_slice %arg3[%shift_right_arithmetic3A_143, %dma_wait3A_464, %dma_wait3A_465] : memref<12500x8x20xf32, #tpu.memory_space<hbm>> -> memref<1x8x20xf32, #tpu.memory_space<hbm>>
      %dma_wait3A_467 = tpu.memref_squeeze %dma_wait3A_466 : memref<1x8x20xf32, #tpu.memory_space<hbm>> -> memref<8x20xf32, #tpu.memory_space<hbm>>
      tpu.wait_dma2 semaphore(%arg19 : memref<!tpu.dma_semaphore, #tpu.memory_space<semaphore_mem>>) src(%dma_wait3A_467 : memref<8x20xf32, #tpu.memory_space<hbm>>) dst(%dma_wait3A_463 : memref<8x20xf32, #tpu.memory_space<vmem>>)
      %dma_wait3A_468 = arith.constant 7 : i32
      %dma_wait3A_469 = arith.constant 0 : i32
      %dma_wait3A_470 = arith.constant 0 : i32
      %dma_wait3A_471 = tpu.memref_slice %arg11[%dma_wait3A_468, %dma_wait3A_469, %dma_wait3A_470] : memref<16x8x20xf32, #tpu.memory_space<vmem>> -> memref<1x8x20xf32, #tpu.memory_space<vmem>>
      %dma_wait3A_472 = tpu.memref_squeeze %dma_wait3A_471 : memref<1x8x20xf32, #tpu.memory_space<vmem>> -> memref<8x20xf32, #tpu.memory_space<vmem>>
      %dma_wait3A_473 = arith.constant 0 : i32
      %dma_wait3A_474 = arith.constant 0 : i32
      %dma_wait3A_475 = tpu.memref_slice %arg3[%shift_right_arithmetic3A_164, %dma_wait3A_473, %dma_wait3A_474] : memref<12500x8x20xf32, #tpu.memory_space<hbm>> -> memref<1x8x20xf32, #tpu.memory_space<hbm>>
      %dma_wait3A_476 = tpu.memref_squeeze %dma_wait3A_475 : memref<1x8x20xf32, #tpu.memory_space<hbm>> -> memref<8x20xf32, #tpu.memory_space<hbm>>
      %dma_wait3A_477 = arith.constant 0 : i32
      %dma_wait3A_478 = arith.constant 0 : i32
      %dma_wait3A_479 = tpu.memref_slice %arg11[%dma_wait3A_468, %dma_wait3A_477, %dma_wait3A_478] : memref<16x8x20xf32, #tpu.memory_space<vmem>> -> memref<1x8x20xf32, #tpu.memory_space<vmem>>
      %dma_wait3A_480 = tpu.memref_squeeze %dma_wait3A_479 : memref<1x8x20xf32, #tpu.memory_space<vmem>> -> memref<8x20xf32, #tpu.memory_space<vmem>>
      %dma_wait3A_481 = arith.constant 0 : i32
      %dma_wait3A_482 = arith.constant 0 : i32
      %dma_wait3A_483 = tpu.memref_slice %arg3[%shift_right_arithmetic3A_164, %dma_wait3A_481, %dma_wait3A_482] : memref<12500x8x20xf32, #tpu.memory_space<hbm>> -> memref<1x8x20xf32, #tpu.memory_space<hbm>>
      %dma_wait3A_484 = tpu.memref_squeeze %dma_wait3A_483 : memref<1x8x20xf32, #tpu.memory_space<hbm>> -> memref<8x20xf32, #tpu.memory_space<hbm>>
      tpu.wait_dma2 semaphore(%arg19 : memref<!tpu.dma_semaphore, #tpu.memory_space<semaphore_mem>>) src(%dma_wait3A_484 : memref<8x20xf32, #tpu.memory_space<hbm>>) dst(%dma_wait3A_480 : memref<8x20xf32, #tpu.memory_space<vmem>>)
      %dma_wait3A_485 = arith.constant 8 : i32
      %dma_wait3A_486 = arith.constant 0 : i32
      %dma_wait3A_487 = arith.constant 0 : i32
      %dma_wait3A_488 = tpu.memref_slice %arg11[%dma_wait3A_485, %dma_wait3A_486, %dma_wait3A_487] : memref<16x8x20xf32, #tpu.memory_space<vmem>> -> memref<1x8x20xf32, #tpu.memory_space<vmem>>
      %dma_wait3A_489 = tpu.memref_squeeze %dma_wait3A_488 : memref<1x8x20xf32, #tpu.memory_space<vmem>> -> memref<8x20xf32, #tpu.memory_space<vmem>>
      %dma_wait3A_490 = arith.constant 0 : i32
      %dma_wait3A_491 = arith.constant 0 : i32
      %dma_wait3A_492 = tpu.memref_slice %arg3[%shift_right_arithmetic3A_185, %dma_wait3A_490, %dma_wait3A_491] : memref<12500x8x20xf32, #tpu.memory_space<hbm>> -> memref<1x8x20xf32, #tpu.memory_space<hbm>>
      %dma_wait3A_493 = tpu.memref_squeeze %dma_wait3A_492 : memref<1x8x20xf32, #tpu.memory_space<hbm>> -> memref<8x20xf32, #tpu.memory_space<hbm>>
      %dma_wait3A_494 = arith.constant 0 : i32
      %dma_wait3A_495 = arith.constant 0 : i32
      %dma_wait3A_496 = tpu.memref_slice %arg11[%dma_wait3A_485, %dma_wait3A_494, %dma_wait3A_495] : memref<16x8x20xf32, #tpu.memory_space<vmem>> -> memref<1x8x20xf32, #tpu.memory_space<vmem>>
      %dma_wait3A_497 = tpu.memref_squeeze %dma_wait3A_496 : memref<1x8x20xf32, #tpu.memory_space<vmem>> -> memref<8x20xf32, #tpu.memory_space<vmem>>
      %dma_wait3A_498 = arith.constant 0 : i32
      %dma_wait3A_499 = arith.constant 0 : i32
      %dma_wait3A_500 = tpu.memref_slice %arg3[%shift_right_arithmetic3A_185, %dma_wait3A_498, %dma_wait3A_499] : memref<12500x8x20xf32, #tpu.memory_space<hbm>> -> memref<1x8x20xf32, #tpu.memory_space<hbm>>
      %dma_wait3A_501 = tpu.memref_squeeze %dma_wait3A_500 : memref<1x8x20xf32, #tpu.memory_space<hbm>> -> memref<8x20xf32, #tpu.memory_space<hbm>>
      tpu.wait_dma2 semaphore(%arg19 : memref<!tpu.dma_semaphore, #tpu.memory_space<semaphore_mem>>) src(%dma_wait3A_501 : memref<8x20xf32, #tpu.memory_space<hbm>>) dst(%dma_wait3A_497 : memref<8x20xf32, #tpu.memory_space<vmem>>)
      %dma_wait3A_502 = arith.constant 9 : i32
      %dma_wait3A_503 = arith.constant 0 : i32
      %dma_wait3A_504 = arith.constant 0 : i32
      %dma_wait3A_505 = tpu.memref_slice %arg11[%dma_wait3A_502, %dma_wait3A_503, %dma_wait3A_504] : memref<16x8x20xf32, #tpu.memory_space<vmem>> -> memref<1x8x20xf32, #tpu.memory_space<vmem>>
      %dma_wait3A_506 = tpu.memref_squeeze %dma_wait3A_505 : memref<1x8x20xf32, #tpu.memory_space<vmem>> -> memref<8x20xf32, #tpu.memory_space<vmem>>
      %dma_wait3A_507 = arith.constant 0 : i32
      %dma_wait3A_508 = arith.constant 0 : i32
      %dma_wait3A_509 = tpu.memref_slice %arg3[%shift_right_arithmetic3A_206, %dma_wait3A_507, %dma_wait3A_508] : memref<12500x8x20xf32, #tpu.memory_space<hbm>> -> memref<1x8x20xf32, #tpu.memory_space<hbm>>
      %dma_wait3A_510 = tpu.memref_squeeze %dma_wait3A_509 : memref<1x8x20xf32, #tpu.memory_space<hbm>> -> memref<8x20xf32, #tpu.memory_space<hbm>>
      %dma_wait3A_511 = arith.constant 0 : i32
      %dma_wait3A_512 = arith.constant 0 : i32
      %dma_wait3A_513 = tpu.memref_slice %arg11[%dma_wait3A_502, %dma_wait3A_511, %dma_wait3A_512] : memref<16x8x20xf32, #tpu.memory_space<vmem>> -> memref<1x8x20xf32, #tpu.memory_space<vmem>>
      %dma_wait3A_514 = tpu.memref_squeeze %dma_wait3A_513 : memref<1x8x20xf32, #tpu.memory_space<vmem>> -> memref<8x20xf32, #tpu.memory_space<vmem>>
      %dma_wait3A_515 = arith.constant 0 : i32
      %dma_wait3A_516 = arith.constant 0 : i32
      %dma_wait3A_517 = tpu.memref_slice %arg3[%shift_right_arithmetic3A_206, %dma_wait3A_515, %dma_wait3A_516] : memref<12500x8x20xf32, #tpu.memory_space<hbm>> -> memref<1x8x20xf32, #tpu.memory_space<hbm>>
      %dma_wait3A_518 = tpu.memref_squeeze %dma_wait3A_517 : memref<1x8x20xf32, #tpu.memory_space<hbm>> -> memref<8x20xf32, #tpu.memory_space<hbm>>
      tpu.wait_dma2 semaphore(%arg19 : memref<!tpu.dma_semaphore, #tpu.memory_space<semaphore_mem>>) src(%dma_wait3A_518 : memref<8x20xf32, #tpu.memory_space<hbm>>) dst(%dma_wait3A_514 : memref<8x20xf32, #tpu.memory_space<vmem>>)
      %dma_wait3A_519 = arith.constant 10 : i32
      %dma_wait3A_520 = arith.constant 0 : i32
      %dma_wait3A_521 = arith.constant 0 : i32
      %dma_wait3A_522 = tpu.memref_slice %arg11[%dma_wait3A_519, %dma_wait3A_520, %dma_wait3A_521] : memref<16x8x20xf32, #tpu.memory_space<vmem>> -> memref<1x8x20xf32, #tpu.memory_space<vmem>>
      %dma_wait3A_523 = tpu.memref_squeeze %dma_wait3A_522 : memref<1x8x20xf32, #tpu.memory_space<vmem>> -> memref<8x20xf32, #tpu.memory_space<vmem>>
      %dma_wait3A_524 = arith.constant 0 : i32
      %dma_wait3A_525 = arith.constant 0 : i32
      %dma_wait3A_526 = tpu.memref_slice %arg3[%shift_right_arithmetic3A_227, %dma_wait3A_524, %dma_wait3A_525] : memref<12500x8x20xf32, #tpu.memory_space<hbm>> -> memref<1x8x20xf32, #tpu.memory_space<hbm>>
      %dma_wait3A_527 = tpu.memref_squeeze %dma_wait3A_526 : memref<1x8x20xf32, #tpu.memory_space<hbm>> -> memref<8x20xf32, #tpu.memory_space<hbm>>
      %dma_wait3A_528 = arith.constant 0 : i32
      %dma_wait3A_529 = arith.constant 0 : i32
      %dma_wait3A_530 = tpu.memref_slice %arg11[%dma_wait3A_519, %dma_wait3A_528, %dma_wait3A_529] : memref<16x8x20xf32, #tpu.memory_space<vmem>> -> memref<1x8x20xf32, #tpu.memory_space<vmem>>
      %dma_wait3A_531 = tpu.memref_squeeze %dma_wait3A_530 : memref<1x8x20xf32, #tpu.memory_space<vmem>> -> memref<8x20xf32, #tpu.memory_space<vmem>>
      %dma_wait3A_532 = arith.constant 0 : i32
      %dma_wait3A_533 = arith.constant 0 : i32
      %dma_wait3A_534 = tpu.memref_slice %arg3[%shift_right_arithmetic3A_227, %dma_wait3A_532, %dma_wait3A_533] : memref<12500x8x20xf32, #tpu.memory_space<hbm>> -> memref<1x8x20xf32, #tpu.memory_space<hbm>>
      %dma_wait3A_535 = tpu.memref_squeeze %dma_wait3A_534 : memref<1x8x20xf32, #tpu.memory_space<hbm>> -> memref<8x20xf32, #tpu.memory_space<hbm>>
      tpu.wait_dma2 semaphore(%arg19 : memref<!tpu.dma_semaphore, #tpu.memory_space<semaphore_mem>>) src(%dma_wait3A_535 : memref<8x20xf32, #tpu.memory_space<hbm>>) dst(%dma_wait3A_531 : memref<8x20xf32, #tpu.memory_space<vmem>>)
      %dma_wait3A_536 = arith.constant 11 : i32
      %dma_wait3A_537 = arith.constant 0 : i32
      %dma_wait3A_538 = arith.constant 0 : i32
      %dma_wait3A_539 = tpu.memref_slice %arg11[%dma_wait3A_536, %dma_wait3A_537, %dma_wait3A_538] : memref<16x8x20xf32, #tpu.memory_space<vmem>> -> memref<1x8x20xf32, #tpu.memory_space<vmem>>
      %dma_wait3A_540 = tpu.memref_squeeze %dma_wait3A_539 : memref<1x8x20xf32, #tpu.memory_space<vmem>> -> memref<8x20xf32, #tpu.memory_space<vmem>>
      %dma_wait3A_541 = arith.constant 0 : i32
      %dma_wait3A_542 = arith.constant 0 : i32
      %dma_wait3A_543 = tpu.memref_slice %arg3[%shift_right_arithmetic3A_248, %dma_wait3A_541, %dma_wait3A_542] : memref<12500x8x20xf32, #tpu.memory_space<hbm>> -> memref<1x8x20xf32, #tpu.memory_space<hbm>>
      %dma_wait3A_544 = tpu.memref_squeeze %dma_wait3A_543 : memref<1x8x20xf32, #tpu.memory_space<hbm>> -> memref<8x20xf32, #tpu.memory_space<hbm>>
      %dma_wait3A_545 = arith.constant 0 : i32
      %dma_wait3A_546 = arith.constant 0 : i32
      %dma_wait3A_547 = tpu.memref_slice %arg11[%dma_wait3A_536, %dma_wait3A_545, %dma_wait3A_546] : memref<16x8x20xf32, #tpu.memory_space<vmem>> -> memref<1x8x20xf32, #tpu.memory_space<vmem>>
      %dma_wait3A_548 = tpu.memref_squeeze %dma_wait3A_547 : memref<1x8x20xf32, #tpu.memory_space<vmem>> -> memref<8x20xf32, #tpu.memory_space<vmem>>
      %dma_wait3A_549 = arith.constant 0 : i32
      %dma_wait3A_550 = arith.constant 0 : i32
      %dma_wait3A_551 = tpu.memref_slice %arg3[%shift_right_arithmetic3A_248, %dma_wait3A_549, %dma_wait3A_550] : memref<12500x8x20xf32, #tpu.memory_space<hbm>> -> memref<1x8x20xf32, #tpu.memory_space<hbm>>
      %dma_wait3A_552 = tpu.memref_squeeze %dma_wait3A_551 : memref<1x8x20xf32, #tpu.memory_space<hbm>> -> memref<8x20xf32, #tpu.memory_space<hbm>>
      tpu.wait_dma2 semaphore(%arg19 : memref<!tpu.dma_semaphore, #tpu.memory_space<semaphore_mem>>) src(%dma_wait3A_552 : memref<8x20xf32, #tpu.memory_space<hbm>>) dst(%dma_wait3A_548 : memref<8x20xf32, #tpu.memory_space<vmem>>)
      %dma_wait3A_553 = arith.constant 12 : i32
      %dma_wait3A_554 = arith.constant 0 : i32
      %dma_wait3A_555 = arith.constant 0 : i32
      %dma_wait3A_556 = tpu.memref_slice %arg11[%dma_wait3A_553, %dma_wait3A_554, %dma_wait3A_555] : memref<16x8x20xf32, #tpu.memory_space<vmem>> -> memref<1x8x20xf32, #tpu.memory_space<vmem>>
      %dma_wait3A_557 = tpu.memref_squeeze %dma_wait3A_556 : memref<1x8x20xf32, #tpu.memory_space<vmem>> -> memref<8x20xf32, #tpu.memory_space<vmem>>
      %dma_wait3A_558 = arith.constant 0 : i32
      %dma_wait3A_559 = arith.constant 0 : i32
      %dma_wait3A_560 = tpu.memref_slice %arg3[%shift_right_arithmetic3A_269, %dma_wait3A_558, %dma_wait3A_559] : memref<12500x8x20xf32, #tpu.memory_space<hbm>> -> memref<1x8x20xf32, #tpu.memory_space<hbm>>
      %dma_wait3A_561 = tpu.memref_squeeze %dma_wait3A_560 : memref<1x8x20xf32, #tpu.memory_space<hbm>> -> memref<8x20xf32, #tpu.memory_space<hbm>>
      %dma_wait3A_562 = arith.constant 0 : i32
      %dma_wait3A_563 = arith.constant 0 : i32
      %dma_wait3A_564 = tpu.memref_slice %arg11[%dma_wait3A_553, %dma_wait3A_562, %dma_wait3A_563] : memref<16x8x20xf32, #tpu.memory_space<vmem>> -> memref<1x8x20xf32, #tpu.memory_space<vmem>>
      %dma_wait3A_565 = tpu.memref_squeeze %dma_wait3A_564 : memref<1x8x20xf32, #tpu.memory_space<vmem>> -> memref<8x20xf32, #tpu.memory_space<vmem>>
      %dma_wait3A_566 = arith.constant 0 : i32
      %dma_wait3A_567 = arith.constant 0 : i32
      %dma_wait3A_568 = tpu.memref_slice %arg3[%shift_right_arithmetic3A_269, %dma_wait3A_566, %dma_wait3A_567] : memref<12500x8x20xf32, #tpu.memory_space<hbm>> -> memref<1x8x20xf32, #tpu.memory_space<hbm>>
      %dma_wait3A_569 = tpu.memref_squeeze %dma_wait3A_568 : memref<1x8x20xf32, #tpu.memory_space<hbm>> -> memref<8x20xf32, #tpu.memory_space<hbm>>
      tpu.wait_dma2 semaphore(%arg19 : memref<!tpu.dma_semaphore, #tpu.memory_space<semaphore_mem>>) src(%dma_wait3A_569 : memref<8x20xf32, #tpu.memory_space<hbm>>) dst(%dma_wait3A_565 : memref<8x20xf32, #tpu.memory_space<vmem>>)
      %dma_wait3A_570 = arith.constant 13 : i32
      %dma_wait3A_571 = arith.constant 0 : i32
      %dma_wait3A_572 = arith.constant 0 : i32
      %dma_wait3A_573 = tpu.memref_slice %arg11[%dma_wait3A_570, %dma_wait3A_571, %dma_wait3A_572] : memref<16x8x20xf32, #tpu.memory_space<vmem>> -> memref<1x8x20xf32, #tpu.memory_space<vmem>>
      %dma_wait3A_574 = tpu.memref_squeeze %dma_wait3A_573 : memref<1x8x20xf32, #tpu.memory_space<vmem>> -> memref<8x20xf32, #tpu.memory_space<vmem>>
      %dma_wait3A_575 = arith.constant 0 : i32
      %dma_wait3A_576 = arith.constant 0 : i32
      %dma_wait3A_577 = tpu.memref_slice %arg3[%shift_right_arithmetic3A_290, %dma_wait3A_575, %dma_wait3A_576] : memref<12500x8x20xf32, #tpu.memory_space<hbm>> -> memref<1x8x20xf32, #tpu.memory_space<hbm>>
      %dma_wait3A_578 = tpu.memref_squeeze %dma_wait3A_577 : memref<1x8x20xf32, #tpu.memory_space<hbm>> -> memref<8x20xf32, #tpu.memory_space<hbm>>
      %dma_wait3A_579 = arith.constant 0 : i32
      %dma_wait3A_580 = arith.constant 0 : i32
      %dma_wait3A_581 = tpu.memref_slice %arg11[%dma_wait3A_570, %dma_wait3A_579, %dma_wait3A_580] : memref<16x8x20xf32, #tpu.memory_space<vmem>> -> memref<1x8x20xf32, #tpu.memory_space<vmem>>
      %dma_wait3A_582 = tpu.memref_squeeze %dma_wait3A_581 : memref<1x8x20xf32, #tpu.memory_space<vmem>> -> memref<8x20xf32, #tpu.memory_space<vmem>>
      %dma_wait3A_583 = arith.constant 0 : i32
      %dma_wait3A_584 = arith.constant 0 : i32
      %dma_wait3A_585 = tpu.memref_slice %arg3[%shift_right_arithmetic3A_290, %dma_wait3A_583, %dma_wait3A_584] : memref<12500x8x20xf32, #tpu.memory_space<hbm>> -> memref<1x8x20xf32, #tpu.memory_space<hbm>>
      %dma_wait3A_586 = tpu.memref_squeeze %dma_wait3A_585 : memref<1x8x20xf32, #tpu.memory_space<hbm>> -> memref<8x20xf32, #tpu.memory_space<hbm>>
      tpu.wait_dma2 semaphore(%arg19 : memref<!tpu.dma_semaphore, #tpu.memory_space<semaphore_mem>>) src(%dma_wait3A_586 : memref<8x20xf32, #tpu.memory_space<hbm>>) dst(%dma_wait3A_582 : memref<8x20xf32, #tpu.memory_space<vmem>>)
      %dma_wait3A_587 = arith.constant 14 : i32
      %dma_wait3A_588 = arith.constant 0 : i32
      %dma_wait3A_589 = arith.constant 0 : i32
      %dma_wait3A_590 = tpu.memref_slice %arg11[%dma_wait3A_587, %dma_wait3A_588, %dma_wait3A_589] : memref<16x8x20xf32, #tpu.memory_space<vmem>> -> memref<1x8x20xf32, #tpu.memory_space<vmem>>
      %dma_wait3A_591 = tpu.memref_squeeze %dma_wait3A_590 : memref<1x8x20xf32, #tpu.memory_space<vmem>> -> memref<8x20xf32, #tpu.memory_space<vmem>>
      %dma_wait3A_592 = arith.constant 0 : i32
      %dma_wait3A_593 = arith.constant 0 : i32
      %dma_wait3A_594 = tpu.memref_slice %arg3[%shift_right_arithmetic3A_311, %dma_wait3A_592, %dma_wait3A_593] : memref<12500x8x20xf32, #tpu.memory_space<hbm>> -> memref<1x8x20xf32, #tpu.memory_space<hbm>>
      %dma_wait3A_595 = tpu.memref_squeeze %dma_wait3A_594 : memref<1x8x20xf32, #tpu.memory_space<hbm>> -> memref<8x20xf32, #tpu.memory_space<hbm>>
      %dma_wait3A_596 = arith.constant 0 : i32
      %dma_wait3A_597 = arith.constant 0 : i32
      %dma_wait3A_598 = tpu.memref_slice %arg11[%dma_wait3A_587, %dma_wait3A_596, %dma_wait3A_597] : memref<16x8x20xf32, #tpu.memory_space<vmem>> -> memref<1x8x20xf32, #tpu.memory_space<vmem>>
      %dma_wait3A_599 = tpu.memref_squeeze %dma_wait3A_598 : memref<1x8x20xf32, #tpu.memory_space<vmem>> -> memref<8x20xf32, #tpu.memory_space<vmem>>
      %dma_wait3A_600 = arith.constant 0 : i32
      %dma_wait3A_601 = arith.constant 0 : i32
      %dma_wait3A_602 = tpu.memref_slice %arg3[%shift_right_arithmetic3A_311, %dma_wait3A_600, %dma_wait3A_601] : memref<12500x8x20xf32, #tpu.memory_space<hbm>> -> memref<1x8x20xf32, #tpu.memory_space<hbm>>
      %dma_wait3A_603 = tpu.memref_squeeze %dma_wait3A_602 : memref<1x8x20xf32, #tpu.memory_space<hbm>> -> memref<8x20xf32, #tpu.memory_space<hbm>>
      tpu.wait_dma2 semaphore(%arg19 : memref<!tpu.dma_semaphore, #tpu.memory_space<semaphore_mem>>) src(%dma_wait3A_603 : memref<8x20xf32, #tpu.memory_space<hbm>>) dst(%dma_wait3A_599 : memref<8x20xf32, #tpu.memory_space<vmem>>)
      %dma_wait3A_604 = arith.constant 15 : i32
      %dma_wait3A_605 = arith.constant 0 : i32
      %dma_wait3A_606 = arith.constant 0 : i32
      %dma_wait3A_607 = tpu.memref_slice %arg11[%dma_wait3A_604, %dma_wait3A_605, %dma_wait3A_606] : memref<16x8x20xf32, #tpu.memory_space<vmem>> -> memref<1x8x20xf32, #tpu.memory_space<vmem>>
      %dma_wait3A_608 = tpu.memref_squeeze %dma_wait3A_607 : memref<1x8x20xf32, #tpu.memory_space<vmem>> -> memref<8x20xf32, #tpu.memory_space<vmem>>
      %dma_wait3A_609 = arith.constant 0 : i32
      %dma_wait3A_610 = arith.constant 0 : i32
      %dma_wait3A_611 = tpu.memref_slice %arg3[%shift_right_arithmetic3A_332, %dma_wait3A_609, %dma_wait3A_610] : memref<12500x8x20xf32, #tpu.memory_space<hbm>> -> memref<1x8x20xf32, #tpu.memory_space<hbm>>
      %dma_wait3A_612 = tpu.memref_squeeze %dma_wait3A_611 : memref<1x8x20xf32, #tpu.memory_space<hbm>> -> memref<8x20xf32, #tpu.memory_space<hbm>>
      %dma_wait3A_613 = arith.constant 0 : i32
      %dma_wait3A_614 = arith.constant 0 : i32
      %dma_wait3A_615 = tpu.memref_slice %arg11[%dma_wait3A_604, %dma_wait3A_613, %dma_wait3A_614] : memref<16x8x20xf32, #tpu.memory_space<vmem>> -> memref<1x8x20xf32, #tpu.memory_space<vmem>>
      %dma_wait3A_616 = tpu.memref_squeeze %dma_wait3A_615 : memref<1x8x20xf32, #tpu.memory_space<vmem>> -> memref<8x20xf32, #tpu.memory_space<vmem>>
      %dma_wait3A_617 = arith.constant 0 : i32
      %dma_wait3A_618 = arith.constant 0 : i32
      %dma_wait3A_619 = tpu.memref_slice %arg3[%shift_right_arithmetic3A_332, %dma_wait3A_617, %dma_wait3A_618] : memref<12500x8x20xf32, #tpu.memory_space<hbm>> -> memref<1x8x20xf32, #tpu.memory_space<hbm>>
      %dma_wait3A_620 = tpu.memref_squeeze %dma_wait3A_619 : memref<1x8x20xf32, #tpu.memory_space<hbm>> -> memref<8x20xf32, #tpu.memory_space<hbm>>
      tpu.wait_dma2 semaphore(%arg19 : memref<!tpu.dma_semaphore, #tpu.memory_space<semaphore_mem>>) src(%dma_wait3A_620 : memref<8x20xf32, #tpu.memory_space<hbm>>) dst(%dma_wait3A_616 : memref<8x20xf32, #tpu.memory_space<vmem>>)
      %broadcast_in_dim3A = arith.constant 0 : i32
      %broadcast_in_dim3A_621 = vector.broadcast %broadcast_in_dim3A : i32 to vector<16xi32>
      %gather3A_622 = tpu.vector_load_idx %arg11[%iota3A, %and3A_17, %broadcast_in_dim3A_621] : memref<16x8x20xf32, #tpu.memory_space<vmem>>[vector<16xi32>, vector<16xi32>, vector<16xi32>], vector<16xf32>,
      %broadcast_in_dim3A_623 = arith.constant 1 : i32
      %broadcast_in_dim3A_624 = vector.broadcast %broadcast_in_dim3A_623 : i32 to vector<16xi32>
      %gather3A_625 = tpu.vector_load_idx %arg11[%iota3A, %and3A_17, %broadcast_in_dim3A_624] : memref<16x8x20xf32, #tpu.memory_space<vmem>>[vector<16xi32>, vector<16xi32>, vector<16xi32>], vector<16xf32>,
      %broadcast_in_dim3A_626 = arith.constant 2 : i32
      %broadcast_in_dim3A_627 = vector.broadcast %broadcast_in_dim3A_626 : i32 to vector<16xi32>
      %gather3A_628 = tpu.vector_load_idx %arg11[%iota3A, %and3A_17, %broadcast_in_dim3A_627] : memref<16x8x20xf32, #tpu.memory_space<vmem>>[vector<16xi32>, vector<16xi32>, vector<16xi32>], vector<16xf32>,
      %broadcast_in_dim3A_629 = arith.constant 3 : i32
      %broadcast_in_dim3A_630 = vector.broadcast %broadcast_in_dim3A_629 : i32 to vector<16xi32>
      %gather3A_631 = tpu.vector_load_idx %arg11[%iota3A, %and3A_17, %broadcast_in_dim3A_630] : memref<16x8x20xf32, #tpu.memory_space<vmem>>[vector<16xi32>, vector<16xi32>, vector<16xi32>], vector<16xf32>,
      %broadcast_in_dim3A_632 = arith.constant 4 : i32
      %broadcast_in_dim3A_633 = vector.broadcast %broadcast_in_dim3A_632 : i32 to vector<16xi32>
      %gather3A_634 = tpu.vector_load_idx %arg11[%iota3A, %and3A_17, %broadcast_in_dim3A_633] : memref<16x8x20xf32, #tpu.memory_space<vmem>>[vector<16xi32>, vector<16xi32>, vector<16xi32>], vector<16xf32>,
      %broadcast_in_dim3A_635 = arith.constant 5 : i32
      %broadcast_in_dim3A_636 = vector.broadcast %broadcast_in_dim3A_635 : i32 to vector<16xi32>
      %gather3A_637 = tpu.vector_load_idx %arg11[%iota3A, %and3A_17, %broadcast_in_dim3A_636] : memref<16x8x20xf32, #tpu.memory_space<vmem>>[vector<16xi32>, vector<16xi32>, vector<16xi32>], vector<16xf32>,
      %broadcast_in_dim3A_638 = arith.constant 6 : i32
      %broadcast_in_dim3A_639 = vector.broadcast %broadcast_in_dim3A_638 : i32 to vector<16xi32>
      %gather3A_640 = tpu.vector_load_idx %arg11[%iota3A, %and3A_17, %broadcast_in_dim3A_639] : memref<16x8x20xf32, #tpu.memory_space<vmem>>[vector<16xi32>, vector<16xi32>, vector<16xi32>], vector<16xf32>,
      %broadcast_in_dim3A_641 = arith.constant 7 : i32
      %broadcast_in_dim3A_642 = vector.broadcast %broadcast_in_dim3A_641 : i32 to vector<16xi32>
      %gather3A_643 = tpu.vector_load_idx %arg11[%iota3A, %and3A_17, %broadcast_in_dim3A_642] : memref<16x8x20xf32, #tpu.memory_space<vmem>>[vector<16xi32>, vector<16xi32>, vector<16xi32>], vector<16xf32>,
      %broadcast_in_dim3A_644 = arith.constant 8 : i32
      %broadcast_in_dim3A_645 = vector.broadcast %broadcast_in_dim3A_644 : i32 to vector<16xi32>
      %gather3A_646 = tpu.vector_load_idx %arg11[%iota3A, %and3A_17, %broadcast_in_dim3A_645] : memref<16x8x20xf32, #tpu.memory_space<vmem>>[vector<16xi32>, vector<16xi32>, vector<16xi32>], vector<16xf32>,
      %broadcast_in_dim3A_647 = arith.constant 9 : i32
      %broadcast_in_dim3A_648 = vector.broadcast %broadcast_in_dim3A_647 : i32 to vector<16xi32>
      %gather3A_649 = tpu.vector_load_idx %arg11[%iota3A, %and3A_17, %broadcast_in_dim3A_648] : memref<16x8x20xf32, #tpu.memory_space<vmem>>[vector<16xi32>, vector<16xi32>, vector<16xi32>], vector<16xf32>,
      %broadcast_in_dim3A_650 = arith.constant 10 : i32
      %broadcast_in_dim3A_651 = vector.broadcast %broadcast_in_dim3A_650 : i32 to vector<16xi32>
      %gather3A_652 = tpu.vector_load_idx %arg11[%iota3A, %and3A_17, %broadcast_in_dim3A_651] : memref<16x8x20xf32, #tpu.memory_space<vmem>>[vector<16xi32>, vector<16xi32>, vector<16xi32>], vector<16xf32>,
      %broadcast_in_dim3A_653 = arith.constant 11 : i32
      %broadcast_in_dim3A_654 = vector.broadcast %broadcast_in_dim3A_653 : i32 to vector<16xi32>
      %gather3A_655 = tpu.vector_load_idx %arg11[%iota3A, %and3A_17, %broadcast_in_dim3A_654] : memref<16x8x20xf32, #tpu.memory_space<vmem>>[vector<16xi32>, vector<16xi32>, vector<16xi32>], vector<16xf32>,
      %broadcast_in_dim3A_656 = arith.constant 12 : i32
      %broadcast_in_dim3A_657 = vector.broadcast %broadcast_in_dim3A_656 : i32 to vector<16xi32>
      %gather3A_658 = tpu.vector_load_idx %arg11[%iota3A, %and3A_17, %broadcast_in_dim3A_657] : memref<16x8x20xf32, #tpu.memory_space<vmem>>[vector<16xi32>, vector<16xi32>, vector<16xi32>], vector<16xf32>,
      %broadcast_in_dim3A_659 = arith.constant 13 : i32
      %broadcast_in_dim3A_660 = vector.broadcast %broadcast_in_dim3A_659 : i32 to vector<16xi32>
      %gather3A_661 = tpu.vector_load_idx %arg11[%iota3A, %and3A_17, %broadcast_in_dim3A_660] : memref<16x8x20xf32, #tpu.memory_space<vmem>>[vector<16xi32>, vector<16xi32>, vector<16xi32>], vector<16xf32>,
      %broadcast_in_dim3A_662 = arith.constant 14 : i32
      %broadcast_in_dim3A_663 = vector.broadcast %broadcast_in_dim3A_662 : i32 to vector<16xi32>
      %gather3A_664 = tpu.vector_load_idx %arg11[%iota3A, %and3A_17, %broadcast_in_dim3A_663] : memref<16x8x20xf32, #tpu.memory_space<vmem>>[vector<16xi32>, vector<16xi32>, vector<16xi32>], vector<16xf32>,
      %broadcast_in_dim3A_665 = arith.constant 15 : i32
      %broadcast_in_dim3A_666 = vector.broadcast %broadcast_in_dim3A_665 : i32 to vector<16xi32>
      %gather3A_667 = tpu.vector_load_idx %arg11[%iota3A, %and3A_17, %broadcast_in_dim3A_666] : memref<16x8x20xf32, #tpu.memory_space<vmem>>[vector<16xi32>, vector<16xi32>, vector<16xi32>], vector<16xf32>,
      %broadcast_in_dim3A_668 = arith.constant 16 : i32
      %broadcast_in_dim3A_669 = vector.broadcast %broadcast_in_dim3A_668 : i32 to vector<16xi32>
      %gather3A_670 = tpu.vector_load_idx %arg11[%iota3A, %and3A_17, %broadcast_in_dim3A_669] : memref<16x8x20xf32, #tpu.memory_space<vmem>>[vector<16xi32>, vector<16xi32>, vector<16xi32>], vector<16xf32>,
      %broadcast_in_dim3A_671 = arith.constant 17 : i32
      %broadcast_in_dim3A_672 = vector.broadcast %broadcast_in_dim3A_671 : i32 to vector<16xi32>
      %gather3A_673 = tpu.vector_load_idx %arg11[%iota3A, %and3A_17, %broadcast_in_dim3A_672] : memref<16x8x20xf32, #tpu.memory_space<vmem>>[vector<16xi32>, vector<16xi32>, vector<16xi32>], vector<16xf32>,
      %broadcast_in_dim3A_674 = arith.constant 18 : i32
      %broadcast_in_dim3A_675 = vector.broadcast %broadcast_in_dim3A_674 : i32 to vector<16xi32>
      %gather3A_676 = tpu.vector_load_idx %arg11[%iota3A, %and3A_17, %broadcast_in_dim3A_675] : memref<16x8x20xf32, #tpu.memory_space<vmem>>[vector<16xi32>, vector<16xi32>, vector<16xi32>], vector<16xf32>,
      %broadcast_in_dim3A_677 = arith.constant 19 : i32
      %broadcast_in_dim3A_678 = vector.broadcast %broadcast_in_dim3A_677 : i32 to vector<16xi32>
      %gather3A_679 = tpu.vector_load_idx %arg11[%iota3A, %and3A_17, %broadcast_in_dim3A_678] : memref<16x8x20xf32, #tpu.memory_space<vmem>>[vector<16xi32>, vector<16xi32>, vector<16xi32>], vector<16xf32>,
      %broadcast_in_dim3A_680 = arith.constant 0 : i32
      %broadcast_in_dim3A_681 = vector.broadcast %broadcast_in_dim3A_680 : i32 to vector<16xi32>
      %broadcast_in_dim3A_682 = arith.constant 1 : i32
      %broadcast_in_dim3A_683 = vector.broadcast %broadcast_in_dim3A_682 : i32 to vector<16xi32>
      %broadcast_in_dim3A_684 = arith.constant 2 : i32
      %broadcast_in_dim3A_685 = vector.broadcast %broadcast_in_dim3A_684 : i32 to vector<16xi32>
      %broadcast_in_dim3A_686 = arith.constant 3 : i32
      %broadcast_in_dim3A_687 = vector.broadcast %broadcast_in_dim3A_686 : i32 to vector<16xi32>
      %broadcast_in_dim3A_688 = arith.constant 4 : i32
      %broadcast_in_dim3A_689 = vector.broadcast %broadcast_in_dim3A_688 : i32 to vector<16xi32>
      %broadcast_in_dim3A_690 = arith.constant 5 : i32
      %broadcast_in_dim3A_691 = vector.broadcast %broadcast_in_dim3A_690 : i32 to vector<16xi32>
      %broadcast_in_dim3A_692 = arith.constant 6 : i32
      %broadcast_in_dim3A_693 = vector.broadcast %broadcast_in_dim3A_692 : i32 to vector<16xi32>
      %broadcast_in_dim3A_694 = arith.constant 7 : i32
      %broadcast_in_dim3A_695 = vector.broadcast %broadcast_in_dim3A_694 : i32 to vector<16xi32>
      %broadcast_in_dim3A_696 = arith.constant 8 : i32
      %broadcast_in_dim3A_697 = vector.broadcast %broadcast_in_dim3A_696 : i32 to vector<16xi32>
      %broadcast_in_dim3A_698 = arith.constant 9 : i32
      %broadcast_in_dim3A_699 = vector.broadcast %broadcast_in_dim3A_698 : i32 to vector<16xi32>
      %broadcast_in_dim3A_700 = arith.constant 10 : i32
      %broadcast_in_dim3A_701 = vector.broadcast %broadcast_in_dim3A_700 : i32 to vector<16xi32>
      %broadcast_in_dim3A_702 = arith.constant 11 : i32
      %broadcast_in_dim3A_703 = vector.broadcast %broadcast_in_dim3A_702 : i32 to vector<16xi32>
      %broadcast_in_dim3A_704 = arith.constant 12 : i32
      %broadcast_in_dim3A_705 = vector.broadcast %broadcast_in_dim3A_704 : i32 to vector<16xi32>
      %broadcast_in_dim3A_706 = arith.constant 13 : i32
      %broadcast_in_dim3A_707 = vector.broadcast %broadcast_in_dim3A_706 : i32 to vector<16xi32>
      %broadcast_in_dim3A_708 = arith.constant 14 : i32
      %broadcast_in_dim3A_709 = vector.broadcast %broadcast_in_dim3A_708 : i32 to vector<16xi32>
      %broadcast_in_dim3A_710 = arith.constant 15 : i32
      %broadcast_in_dim3A_711 = vector.broadcast %broadcast_in_dim3A_710 : i32 to vector<16xi32>
      %broadcast_in_dim3A_712 = arith.constant 16 : i32
      %broadcast_in_dim3A_713 = vector.broadcast %broadcast_in_dim3A_712 : i32 to vector<16xi32>
      %broadcast_in_dim3A_714 = arith.constant 17 : i32
      %broadcast_in_dim3A_715 = vector.broadcast %broadcast_in_dim3A_714 : i32 to vector<16xi32>
      %broadcast_in_dim3A_716 = arith.constant 18 : i32
      %broadcast_in_dim3A_717 = vector.broadcast %broadcast_in_dim3A_716 : i32 to vector<16xi32>
      %broadcast_in_dim3A_718 = arith.constant 19 : i32
      %broadcast_in_dim3A_719 = vector.broadcast %broadcast_in_dim3A_718 : i32 to vector<16xi32>
      %broadcast_in_dim3A_720 = arith.constant -3.000000e+38 : f32
      %broadcast_in_dim3A_721 = vector.broadcast %broadcast_in_dim3A_720 : f32 to vector<16xf32>
      %scan3A = arith.constant 0 : i32
      %scan3A_722 = arith.constant 60 : i32
      %scan3A_723 = arith.addi %scan3A, %scan3A_722 : i32
      %scan3A_724 = arith.constant 1 : i32
      %scan3A_725 = scf.for %scan3A_748 = %scan3A to %scan3A_723 step %scan3A_724 iter_args(%scan3A_749 = %broadcast_in_dim3A_721) -> (vector<16xf32>)  : i32 {
        %broadcast_in_dim3A_750 = arith.constant 0 : i32
        %broadcast_in_dim3A_751 = vector.broadcast %broadcast_in_dim3A_750 : i32 to vector<16xi32>
        %add3A_752 = vector.broadcast %scan3A_748 : i32 to vector<16xi32>
        %add3A_753 = arith.addi %broadcast_in_dim3A_751, %add3A_752 : vector<16xi32>
        %gather3A_754 = tpu.vector_load_idx %arg13[%add3A_753] : memref<60xf32, #tpu.memory_space<vmem>>[vector<16xi32>], vector<16xf32>,
        %gather3A_755 = tpu.vector_load_idx %arg12[%add3A_753, %broadcast_in_dim3A_681] : memref<60x20xf32, #tpu.memory_space<vmem>>[vector<16xi32>, vector<16xi32>], vector<16xf32>,
        %mul3A_756 = arith.mulf %gather3A_755, %gather3A_622 : vector<16xf32>
        %add3A_757 = arith.addf %gather3A_754, %mul3A_756 : vector<16xf32>
        %gather3A_758 = tpu.vector_load_idx %arg12[%add3A_753, %broadcast_in_dim3A_683] : memref<60x20xf32, #tpu.memory_space<vmem>>[vector<16xi32>, vector<16xi32>], vector<16xf32>,
        %mul3A_759 = arith.mulf %gather3A_758, %gather3A_625 : vector<16xf32>
        %add3A_760 = arith.addf %add3A_757, %mul3A_759 : vector<16xf32>
        %gather3A_761 = tpu.vector_load_idx %arg12[%add3A_753, %broadcast_in_dim3A_685] : memref<60x20xf32, #tpu.memory_space<vmem>>[vector<16xi32>, vector<16xi32>], vector<16xf32>,
        %mul3A_762 = arith.mulf %gather3A_761, %gather3A_628 : vector<16xf32>
        %add3A_763 = arith.addf %add3A_760, %mul3A_762 : vector<16xf32>
        %gather3A_764 = tpu.vector_load_idx %arg12[%add3A_753, %broadcast_in_dim3A_687] : memref<60x20xf32, #tpu.memory_space<vmem>>[vector<16xi32>, vector<16xi32>], vector<16xf32>,
        %mul3A_765 = arith.mulf %gather3A_764, %gather3A_631 : vector<16xf32>
        %add3A_766 = arith.addf %add3A_763, %mul3A_765 : vector<16xf32>
        %gather3A_767 = tpu.vector_load_idx %arg12[%add3A_753, %broadcast_in_dim3A_689] : memref<60x20xf32, #tpu.memory_space<vmem>>[vector<16xi32>, vector<16xi32>], vector<16xf32>,
        %mul3A_768 = arith.mulf %gather3A_767, %gather3A_634 : vector<16xf32>
        %add3A_769 = arith.addf %add3A_766, %mul3A_768 : vector<16xf32>
        %gather3A_770 = tpu.vector_load_idx %arg12[%add3A_753, %broadcast_in_dim3A_691] : memref<60x20xf32, #tpu.memory_space<vmem>>[vector<16xi32>, vector<16xi32>], vector<16xf32>,
        %mul3A_771 = arith.mulf %gather3A_770, %gather3A_637 : vector<16xf32>
        %add3A_772 = arith.addf %add3A_769, %mul3A_771 : vector<16xf32>
        %gather3A_773 = tpu.vector_load_idx %arg12[%add3A_753, %broadcast_in_dim3A_693] : memref<60x20xf32, #tpu.memory_space<vmem>>[vector<16xi32>, vector<16xi32>], vector<16xf32>,
        %mul3A_774 = arith.mulf %gather3A_773, %gather3A_640 : vector<16xf32>
        %add3A_775 = arith.addf %add3A_772, %mul3A_774 : vector<16xf32>
        %gather3A_776 = tpu.vector_load_idx %arg12[%add3A_753, %broadcast_in_dim3A_695] : memref<60x20xf32, #tpu.memory_space<vmem>>[vector<16xi32>, vector<16xi32>], vector<16xf32>,
        %mul3A_777 = arith.mulf %gather3A_776, %gather3A_643 : vector<16xf32>
        %add3A_778 = arith.addf %add3A_775, %mul3A_777 : vector<16xf32>
        %gather3A_779 = tpu.vector_load_idx %arg12[%add3A_753, %broadcast_in_dim3A_697] : memref<60x20xf32, #tpu.memory_space<vmem>>[vector<16xi32>, vector<16xi32>], vector<16xf32>,
        %mul3A_780 = arith.mulf %gather3A_779, %gather3A_646 : vector<16xf32>
        %add3A_781 = arith.addf %add3A_778, %mul3A_780 : vector<16xf32>
        %gather3A_782 = tpu.vector_load_idx %arg12[%add3A_753, %broadcast_in_dim3A_699] : memref<60x20xf32, #tpu.memory_space<vmem>>[vector<16xi32>, vector<16xi32>], vector<16xf32>,
        %mul3A_783 = arith.mulf %gather3A_782, %gather3A_649 : vector<16xf32>
        %add3A_784 = arith.addf %add3A_781, %mul3A_783 : vector<16xf32>
        %gather3A_785 = tpu.vector_load_idx %arg12[%add3A_753, %broadcast_in_dim3A_701] : memref<60x20xf32, #tpu.memory_space<vmem>>[vector<16xi32>, vector<16xi32>], vector<16xf32>,
        %mul3A_786 = arith.mulf %gather3A_785, %gather3A_652 : vector<16xf32>
        %add3A_787 = arith.addf %add3A_784, %mul3A_786 : vector<16xf32>
        %gather3A_788 = tpu.vector_load_idx %arg12[%add3A_753, %broadcast_in_dim3A_703] : memref<60x20xf32, #tpu.memory_space<vmem>>[vector<16xi32>, vector<16xi32>], vector<16xf32>,
        %mul3A_789 = arith.mulf %gather3A_788, %gather3A_655 : vector<16xf32>
        %add3A_790 = arith.addf %add3A_787, %mul3A_789 : vector<16xf32>
        %gather3A_791 = tpu.vector_load_idx %arg12[%add3A_753, %broadcast_in_dim3A_705] : memref<60x20xf32, #tpu.memory_space<vmem>>[vector<16xi32>, vector<16xi32>], vector<16xf32>,
        %mul3A_792 = arith.mulf %gather3A_791, %gather3A_658 : vector<16xf32>
        %add3A_793 = arith.addf %add3A_790, %mul3A_792 : vector<16xf32>
        %gather3A_794 = tpu.vector_load_idx %arg12[%add3A_753, %broadcast_in_dim3A_707] : memref<60x20xf32, #tpu.memory_space<vmem>>[vector<16xi32>, vector<16xi32>], vector<16xf32>,
        %mul3A_795 = arith.mulf %gather3A_794, %gather3A_661 : vector<16xf32>
        %add3A_796 = arith.addf %add3A_793, %mul3A_795 : vector<16xf32>
        %gather3A_797 = tpu.vector_load_idx %arg12[%add3A_753, %broadcast_in_dim3A_709] : memref<60x20xf32, #tpu.memory_space<vmem>>[vector<16xi32>, vector<16xi32>], vector<16xf32>,
        %mul3A_798 = arith.mulf %gather3A_797, %gather3A_664 : vector<16xf32>
        %add3A_799 = arith.addf %add3A_796, %mul3A_798 : vector<16xf32>
        %gather3A_800 = tpu.vector_load_idx %arg12[%add3A_753, %broadcast_in_dim3A_711] : memref<60x20xf32, #tpu.memory_space<vmem>>[vector<16xi32>, vector<16xi32>], vector<16xf32>,
        %mul3A_801 = arith.mulf %gather3A_800, %gather3A_667 : vector<16xf32>
        %add3A_802 = arith.addf %add3A_799, %mul3A_801 : vector<16xf32>
        %gather3A_803 = tpu.vector_load_idx %arg12[%add3A_753, %broadcast_in_dim3A_713] : memref<60x20xf32, #tpu.memory_space<vmem>>[vector<16xi32>, vector<16xi32>], vector<16xf32>,
        %mul3A_804 = arith.mulf %gather3A_803, %gather3A_670 : vector<16xf32>
        %add3A_805 = arith.addf %add3A_802, %mul3A_804 : vector<16xf32>
        %gather3A_806 = tpu.vector_load_idx %arg12[%add3A_753, %broadcast_in_dim3A_715] : memref<60x20xf32, #tpu.memory_space<vmem>>[vector<16xi32>, vector<16xi32>], vector<16xf32>,
        %mul3A_807 = arith.mulf %gather3A_806, %gather3A_673 : vector<16xf32>
        %add3A_808 = arith.addf %add3A_805, %mul3A_807 : vector<16xf32>
        %gather3A_809 = tpu.vector_load_idx %arg12[%add3A_753, %broadcast_in_dim3A_717] : memref<60x20xf32, #tpu.memory_space<vmem>>[vector<16xi32>, vector<16xi32>], vector<16xf32>,
        %mul3A_810 = arith.mulf %gather3A_809, %gather3A_676 : vector<16xf32>
        %add3A_811 = arith.addf %add3A_808, %mul3A_810 : vector<16xf32>
        %gather3A_812 = tpu.vector_load_idx %arg12[%add3A_753, %broadcast_in_dim3A_719] : memref<60x20xf32, #tpu.memory_space<vmem>>[vector<16xi32>, vector<16xi32>], vector<16xf32>,
        %mul3A_813 = arith.mulf %gather3A_812, %gather3A_679 : vector<16xf32>
        %add3A_814 = arith.addf %add3A_811, %mul3A_813 : vector<16xf32>
        %swap3A_815 = arith.index_cast %scan3A_748 : i32 to index
        %swap3A_816 = arith.constant 0 : index
        %swap3A_817 = tpu.vector_load %arg15[%swap3A_815, %swap3A_816] {strides = array<i32>} : memref<60x16xf32, #tpu.memory_space<vmem>>, vector<16xf32>,
        tpu.vector_store %arg15[%swap3A_815, %swap3A_816], %add3A_814 {strides = array<i32>} : memref<60x16xf32, #tpu.memory_space<vmem>>, vector<16xf32>,
        %max3A = arith.maximumf %scan3A_749, %add3A_814 : vector<16xf32>
        scf.yield %max3A : vector<16xf32>
      }
      %scan3A_726 = arith.constant 60 : i32
      %mul3A_727 = arith.constant 60 : i32
      %mul3A_728 = vector.broadcast %mul3A_727 : i32 to vector<16xi32>
      %mul3A_729 = arith.muli %min3A_14, %mul3A_728 : vector<16xi32>
      %broadcast_in_dim3A_730 = arith.constant 0 : i32
      %broadcast_in_dim3A_731 = vector.broadcast %broadcast_in_dim3A_730 : i32 to vector<16xi32>
      %broadcast_in_dim3A_732 = arith.constant 0.000000e+00 : f32
      %broadcast_in_dim3A_733 = vector.broadcast %broadcast_in_dim3A_732 : f32 to vector<16xf32>
      %broadcast_in_dim3A_734 = arith.constant 0.000000e+00 : f32
      %broadcast_in_dim3A_735 = vector.broadcast %broadcast_in_dim3A_734 : f32 to vector<16xf32>
      %scan3A_736 = arith.constant 0 : i32
      %scan3A_737 = arith.constant 60 : i32
      %scan3A_738 = arith.addi %scan3A_736, %scan3A_737 : i32
      %scan3A_739 = arith.constant 1 : i32
      %scan3A_740:2 = scf.for %scan3A_748 = %scan3A_736 to %scan3A_738 step %scan3A_739 iter_args(%scan3A_749 = %broadcast_in_dim3A_733, %scan3A_750 = %broadcast_in_dim3A_735) -> (vector<16xf32>, vector<16xf32>)  : i32 {
        %get3A = arith.index_cast %scan3A_748 : i32 to index
        %get3A_751 = arith.constant 0 : index
        %get3A_752 = tpu.vector_load %arg15[%get3A, %get3A_751] {strides = array<i32>} : memref<60x16xf32, #tpu.memory_space<vmem>>, vector<16xf32>,
        %sub3A = arith.subf %get3A_752, %scan3A_725 : vector<16xf32>
        %exp3A = math.exp %sub3A : vector<16xf32>
        %add3A_753 = vector.broadcast %scan3A_748 : i32 to vector<16xi32>
        %add3A_754 = arith.addi %mul3A_729, %add3A_753 : vector<16xi32>
        %gather3A_755 = tpu.vector_load_idx %arg14[%broadcast_in_dim3A_731, %add3A_754] : memref<1x3000xf32, #tpu.memory_space<vmem>>[vector<16xi32>, vector<16xi32>], vector<16xf32>,
        %add3A_756 = arith.addf %scan3A_749, %exp3A : vector<16xf32>
        %mul3A_757 = arith.mulf %exp3A, %gather3A_755 : vector<16xf32>
        %add3A_758 = arith.addf %scan3A_750, %mul3A_757 : vector<16xf32>
        scf.yield %add3A_756, %add3A_758 : vector<16xf32>, vector<16xf32>
      }
      %scan3A_741 = arith.constant 60 : i32
      %lt3A_742 = arith.constant 50 : i32
      %lt3A_743 = vector.broadcast %lt3A_742 : i32 to vector<16xi32>
      %lt3A_744 = arith.cmpi slt, %add3A_12, %lt3A_743 : vector<16xi32>
      %div3A = arith.divf %scan3A_740#1, %scan3A_740#0 : vector<16xf32>
      %broadcast_in_dim3A_745 = arith.constant 0.000000e+00 : f32
      %broadcast_in_dim3A_746 = vector.broadcast %broadcast_in_dim3A_745 : f32 to vector<16xf32>
      %select_n3A = arith.select %lt3A_744, %div3A, %broadcast_in_dim3A_746 : vector<16xi1>, vector<16xf32>
      %swap3A = arith.constant 0 : index
      %swap3A_747 = tpu.vector_load %arg16[%swap3A] {strides = array<i32>} : memref<16xf32, #tpu.memory_space<vmem>>, vector<16xf32>,
      tpu.vector_store %arg16[%swap3A], %select_n3A {strides = array<i32>} : memref<16xf32, #tpu.memory_space<vmem>>, vector<16xf32>,
      "tpu.region"() ({
        %run_scoped3A = tpu.sem_alloc : memref<!tpu.dma_semaphore, #tpu.memory_space<semaphore_mem>>
        %dma_start3A_748 = arith.constant 0 : i32
        %dma_start3A_749 = tpu.memref_slice %arg9[%arg1, %dma_start3A_748] : memref<4x16xf32, #tpu.memory_space<hbm>> -> memref<1x16xf32, #tpu.memory_space<hbm>>
        %dma_start3A_750 = tpu.memref_squeeze %dma_start3A_749 : memref<1x16xf32, #tpu.memory_space<hbm>> -> memref<16xf32, #tpu.memory_space<hbm>>
        %dma_start3A_751 = arith.constant 0 : i32
        %dma_start3A_752 = tpu.memref_slice %arg9[%arg1, %dma_start3A_751] : memref<4x16xf32, #tpu.memory_space<hbm>> -> memref<1x16xf32, #tpu.memory_space<hbm>>
        %dma_start3A_753 = tpu.memref_squeeze %dma_start3A_752 : memref<1x16xf32, #tpu.memory_space<hbm>> -> memref<16xf32, #tpu.memory_space<hbm>>
        tpu.enqueue_dma source(%arg16 : memref<16xf32, #tpu.memory_space<vmem>>) target(%dma_start3A_753 : memref<16xf32, #tpu.memory_space<hbm>>) target_semaphore(%run_scoped3A : memref<!tpu.dma_semaphore, #tpu.memory_space<semaphore_mem>>)
        %dma_wait3A_754 = arith.constant 0 : i32
        %dma_wait3A_755 = tpu.memref_slice %arg9[%arg1, %dma_wait3A_754] : memref<4x16xf32, #tpu.memory_space<hbm>> -> memref<1x16xf32, #tpu.memory_space<hbm>>
        %dma_wait3A_756 = tpu.memref_squeeze %dma_wait3A_755 : memref<1x16xf32, #tpu.memory_space<hbm>> -> memref<16xf32, #tpu.memory_space<hbm>>
        %dma_wait3A_757 = arith.constant 0 : i32
        %dma_wait3A_758 = tpu.memref_slice %arg9[%arg1, %dma_wait3A_757] : memref<4x16xf32, #tpu.memory_space<hbm>> -> memref<1x16xf32, #tpu.memory_space<hbm>>
        %dma_wait3A_759 = tpu.memref_squeeze %dma_wait3A_758 : memref<1x16xf32, #tpu.memory_space<hbm>> -> memref<16xf32, #tpu.memory_space<hbm>>
        tpu.wait_dma2 semaphore(%run_scoped3A : memref<!tpu.dma_semaphore, #tpu.memory_space<semaphore_mem>>) src(%arg16 : memref<16xf32, #tpu.memory_space<vmem>>) dst(%dma_wait3A_759 : memref<16xf32, #tpu.memory_space<hbm>>)
        tpu.yield
      }) : () -> ()
    } else {
    }
    %barrier3A = arith.constant 0 : index
    tpu.barrier barrier_id(%barrier3A)
    %eq3A_3 = arith.constant 0 : i32
    %eq3A_4 = arith.cmpi eq, %arg0, %eq3A_3 : i32
    %eq3A_5 = arith.constant 0 : i32
    %eq3A_6 = arith.cmpi eq, %arg1, %eq3A_5 : i32
    %and3A_7 = arith.andi %eq3A_4, %eq3A_6 : i1
    %convert_element_type3A_8 = arith.extui %and3A_7 : i1 to i32
    %cond3A_9 = arith.constant 0 : i32
    %cond3A_10 = arith.cmpi ne, %convert_element_type3A_8, %cond3A_9 : i32
    scf.if %cond3A_10 {
      "tpu.region"() ({
        %run_scoped3A = tpu.sem_alloc : memref<!tpu.dma_semaphore, #tpu.memory_space<semaphore_mem>>
        tpu.enqueue_dma source(%arg7 : memref<1xf32, #tpu.memory_space<hbm>>) target(%arg18 : memref<1xf32, #tpu.memory_space<vmem>>) target_semaphore(%run_scoped3A : memref<!tpu.dma_semaphore, #tpu.memory_space<semaphore_mem>>)
        tpu.wait_dma2 semaphore(%run_scoped3A : memref<!tpu.dma_semaphore, #tpu.memory_space<semaphore_mem>>) src(%arg7 : memref<1xf32, #tpu.memory_space<hbm>>) dst(%arg18 : memref<1xf32, #tpu.memory_space<vmem>>)
        tpu.yield
      }) : () -> ()
      "tpu.region"() ({
        %run_scoped3A = tpu.sem_alloc : memref<!tpu.dma_semaphore, #tpu.memory_space<semaphore_mem>>
        tpu.enqueue_dma source(%arg9 : memref<4x16xf32, #tpu.memory_space<hbm>>) target(%arg17 : memref<4x16xf32, #tpu.memory_space<vmem>>) target_semaphore(%run_scoped3A : memref<!tpu.dma_semaphore, #tpu.memory_space<semaphore_mem>>)
        tpu.wait_dma2 semaphore(%run_scoped3A : memref<!tpu.dma_semaphore, #tpu.memory_space<semaphore_mem>>) src(%arg9 : memref<4x16xf32, #tpu.memory_space<hbm>>) dst(%arg17 : memref<4x16xf32, #tpu.memory_space<vmem>>)
        tpu.yield
      }) : () -> ()
      %get3A = arith.constant 0 : i32
      %get3A_11 = arith.index_cast %get3A : i32 to index
      %get3A_12 = arith.constant 0 : index
      %get3A_13 = tpu.vector_load %arg17[%get3A_11, %get3A_12] {strides = array<i32>} : memref<4x16xf32, #tpu.memory_space<vmem>>, vector<16xf32>,
      %get3A_14 = arith.constant 1 : i32
      %get3A_15 = arith.index_cast %get3A_14 : i32 to index
      %get3A_16 = arith.constant 0 : index
      %get3A_17 = tpu.vector_load %arg17[%get3A_15, %get3A_16] {strides = array<i32>} : memref<4x16xf32, #tpu.memory_space<vmem>>, vector<16xf32>,
      %add3A = arith.addf %get3A_13, %get3A_17 : vector<16xf32>
      %get3A_18 = arith.constant 2 : i32
      %get3A_19 = arith.index_cast %get3A_18 : i32 to index
      %get3A_20 = arith.constant 0 : index
      %get3A_21 = tpu.vector_load %arg17[%get3A_19, %get3A_20] {strides = array<i32>} : memref<4x16xf32, #tpu.memory_space<vmem>>, vector<16xf32>,
      %add3A_22 = arith.addf %add3A, %get3A_21 : vector<16xf32>
      %get3A_23 = arith.constant 3 : i32
      %get3A_24 = arith.index_cast %get3A_23 : i32 to index
      %get3A_25 = arith.constant 0 : index
      %get3A_26 = tpu.vector_load %arg17[%get3A_24, %get3A_25] {strides = array<i32>} : memref<4x16xf32, #tpu.memory_space<vmem>>, vector<16xf32>,
      %add3A_27 = arith.addf %add3A_22, %get3A_26 : vector<16xf32>
      %broadcast_in_dim3A = arith.constant 0 : i32
      %broadcast_in_dim3A_28 = vector.broadcast %broadcast_in_dim3A : i32 to vector<16xi32>
      %gather3A = tpu.vector_load_idx %arg18[%broadcast_in_dim3A_28] : memref<1xf32, #tpu.memory_space<vmem>>[vector<16xi32>], vector<16xf32>,
      %reduce_sum3A = arith.constant true
      %reduce_sum3A_29 = vector.broadcast %reduce_sum3A : i1 to vector<16xi1>
      %reduce_sum3A_30 = tpu.scan <sum>, %add3A_27 masked %reduce_sum3A_29 : vector<16xf32>, vector<16xi1> -> vector<16xf32>
      %reduce_sum3A_31 = vector.extract %reduce_sum3A_30[15] : f32 from vector<16xf32>
      %add3A_32 = vector.broadcast %reduce_sum3A_31 : f32 to vector<16xf32>
      %add3A_33 = arith.addf %add3A_32, %gather3A : vector<16xf32>
      %broadcast_in_dim3A_34 = arith.constant 0.000000e+00 : f32
      %broadcast_in_dim3A_35 = vector.broadcast %broadcast_in_dim3A_34 : f32 to vector<16xf32>
      %max3A = arith.maximumf %add3A_33, %broadcast_in_dim3A_35 : vector<16xf32>
      %swap3A = arith.constant 0 : index
      %swap3A_36 = tpu.vector_load %arg16[%swap3A] {strides = array<i32>} : memref<16xf32, #tpu.memory_space<vmem>>, vector<16xf32>,
      tpu.vector_store %arg16[%swap3A], %max3A {strides = array<i32>} : memref<16xf32, #tpu.memory_space<vmem>>, vector<16xf32>,
      "tpu.region"() ({
        %run_scoped3A = tpu.sem_alloc : memref<!tpu.dma_semaphore, #tpu.memory_space<semaphore_mem>>
        %dma_start3A = arith.constant 0 : i32
        %dma_start3A_37 = tpu.memref_slice %arg16[%dma_start3A] : memref<16xf32, #tpu.memory_space<vmem>> -> memref<1xf32, #tpu.memory_space<vmem>>
        %dma_start3A_38 = arith.constant 0 : i32
        %dma_start3A_39 = tpu.memref_slice %arg16[%dma_start3A_38] : memref<16xf32, #tpu.memory_space<vmem>> -> memref<1xf32, #tpu.memory_space<vmem>>
        tpu.enqueue_dma source(%dma_start3A_39 : memref<1xf32, #tpu.memory_space<vmem>>) target(%arg8 : memref<1xf32, #tpu.memory_space<hbm>>) target_semaphore(%run_scoped3A : memref<!tpu.dma_semaphore, #tpu.memory_space<semaphore_mem>>)
        %dma_wait3A = arith.constant 0 : i32
        %dma_wait3A_40 = tpu.memref_slice %arg16[%dma_wait3A] : memref<16xf32, #tpu.memory_space<vmem>> -> memref<1xf32, #tpu.memory_space<vmem>>
        %dma_wait3A_41 = arith.constant 0 : i32
        %dma_wait3A_42 = tpu.memref_slice %arg16[%dma_wait3A_41] : memref<16xf32, #tpu.memory_space<vmem>> -> memref<1xf32, #tpu.memory_space<vmem>>
        tpu.wait_dma2 semaphore(%run_scoped3A : memref<!tpu.dma_semaphore, #tpu.memory_space<semaphore_mem>>) src(%dma_wait3A_42 : memref<1xf32, #tpu.memory_space<vmem>>) dst(%arg8 : memref<1xf32, #tpu.memory_space<hbm>>)
        tpu.yield
      }) : () -> ()
    } else {
    }
    return
  }
}

</mosaic_0001>

<sc_bundles>
// kernel: kernel.3.cloned.1.call-start
scs
__scs_entry_jumppad:
0x0: {  	(pc) =	sbr.rel $0x88, $3  }
0x1: {  	(tag) =	ssettag $0x0;
	lr =	simm.s32 $0x1  }
0x2: {  	[smem:$0x3F9B] =	sst lr;
	_ =	strace $0xD0000000  }
0x3: {  	_ = 	snop  }
0x4: {  	_ = 	snop  }
0x5: {  	_ = 	snop  }
0x6: {  	_ = 	snop  }
0x7: {  	_ = 	snop  }
__scs_overlays_trampoline_lowered:
0x8: {  	[smem:$0x3FAA] =	sst s0  }
0x9: {  	[smem:$0x3FAB] =	sst s1  }
0xa: {  	[smem:$0x3FAC] =	sst s2  }
0xb: {  	[smem:$0x3FAD] =	sst s3  }
0xc: {  	[smem:$0x3FAE] =	sst s4  }
0xd: {  	[smem:$0x3FAF] =	sst s5  }
0xe: {  	[smem:$0x3FB0] =	sst s6  }
0xf: {  	[smem:$0x3FB1] =	sst s7  }
0x10: {  	[smem:$0x3FB2] =	sst s8  }
0x11: {  	[smem:$0x3FB3] =	sst s9;
	s0 =	simm.s32 @!p0 $0x0  }
0x12: {  	s1 =	sld [smem:$0x3F99];
	s0 =	simm.s32 @p0 $0x1  }
0x13: {  	[smem:$0x3FB4] =	sst s0;
	s0 =	simm.s32 @!p1 $0x0  }
0x14: {  	s2 =	sld [smem:$0x3F98];
	s0 =	simm.s32 @p1 $0x1  }
0x15: {  	[smem:$0x3FB5] =	sst s0;
	s0 =	simm.s32 @!p2 $0x0  }
0x16: {  	s3 =	sld [smem:$0x3FDB];
	s0 =	simm.s32 @p2 $0x1  }
0x17: {  	s4 =	simm.s32 $0x1BF5;
	[smem:$0x3FB7] =	sst s0  }
0x18: {  	s0 =	sld [smem:$0x3F9A];
	_ =	swait.ge [sflag:s4], $0x0  }
0x19: {  	s7 =	sld [smem:$0x3F9B]  }
0x1a: {  	s8 =	sadd.s32 $0xFFFFE003, lr  }
0x1b: {  	s9 =	sadd.s32 $0xFFFFFEF7, lr;
	s5 =	simm.s32 $0xFFFFFFFF;
	p2 =	slt.u32 s8, $0xFFFFF086  }
0x1c: {  	p1 =	slt.u32 s9, $0xF7A;
	s5 =	simm.s32 @!p2 $0x0  }
0x1d: {  	s5 =	simm.s32 @p1 $0x1;
	p0 =	seq.s32 s7, s2  }
0x1e: {  	s7 =	smul.u32 @!p0 $0xF7A, s2;
	p2 =	seq.s32 @!p0 s5, $0x0  }
0x1f: {  	s9 =	smul.u32 $0xF7A, s1;
	s8 =	simm.s32 @!p0 $0x1BF5;
	p2 =	por !p2, p0  }
0x20: {  	[sflag:s8] =	ssyncset.s32 @!p0 $0xFFFFF086;
	s6 =	sadd.s32 @!p0 s3, s7;
	s7 =	simm.s32 @!p0 $0x108  }
0x21: {  	s3 =	sadd.s32 s3, s9;
	s6 =	sadd.s32 @!p0 $0x88, s6;
	s7 =	simm.s32 @p2 $0x1082  }
0x22: {  	[simem:s7], [sflag:s8] =	dma.local @!p0 [hbm:s6], $0xF7A  }
0x23: {  	s9 =	sor.u32 $0xD0000000, s2;
	s6 =	simm.s32 $0x108;
	_ =	swait.ge @!p0 [sflag:s8], $0x0  }
0x24: {  	s3 =	sadd.s32 $0x88, s3;
	s6 =	simm.s32 @!p1 $0x1082;
	[sflag:s4] =	ssyncset.s32 $0xFFFFF086  }
0x25: {  	[simem:s6], [sflag:s4] =	dma.local [hbm:s3], $0xF7A  }
0x26: {  	[smem:$0x3F9B] =	sst s1;
	(tag) =	ssettag s2;
	_ =	strace s9  }
0x27: {  	s1 =	sld [smem:$0x3FAB]  }
0x28: {  	s2 =	sld [smem:$0x3FAC]  }
0x29: {  	s4 =	sld [smem:$0x3FAE]  }
0x2a: {  	p0 =	seq.s32 s5, $0x0;
	s5 =	sld [smem:$0x3FAF]  }
0x2b: {  	s6 =	sld [smem:$0x3FB0]  }
0x2c: {  	s7 =	sld [smem:$0x3FB1]  }
0x2d: {  	s3 =	simm.s32 $0x108;
	s8 =	sld [smem:$0x3FB2]  }
0x2e: {  	s3 =	simm.s32 @!p0 $0x1082;
	s9 =	sld [smem:$0x3FB3]  }
0x2f: {  	lr =	sadd.s32 s0, s3;
	s0 =	sld [smem:$0x3FAA]  }
0x30: {  	s3 =	sld [smem:$0x3FAD]  }
0x31: {  	[smem:$0x3FB6] =	sst s10  }
0x32: {  	s10 =	sld [smem:$0x3FB4];
	_ =	sdelay $0x3  }
0x33: {  	p0 =	seq.s32 s10, $0x1;
	s10 =	sld [smem:$0x3FB6];
	_ =	sdelay $0x3  }
0x34: {  	[smem:$0x3FB6] =	sst s10  }
0x35: {  	s10 =	sld [smem:$0x3FB5];
	_ =	sdelay $0x3  }
0x36: {  	p1 =	seq.s32 s10, $0x1;
	s10 =	sld [smem:$0x3FB6];
	_ =	sdelay $0x3  }
0x37: {  	[smem:$0x3FB6] =	sst s10  }
0x38: {  	s10 =	sld [smem:$0x3FB7]  }
0x39: {  	_ = 	snop;
	(pc) =	sbr.ind lr, $3  }
0x3a: {  	_ = 	snop  }
0x3b: {  	_ = 	snop  }
0x3c: {  	p2 =	seq.s32 s10, $0x1;
	s10 =	sld [smem:$0x3FB6]  }
0x3d: {  	_ =	shalt  }
0x3e: {  	_ =	shalt  }
0x3f: {  	_ =	shalt  }
0x40: {  	_ =	shalt  }
0x41: {  	_ =	shalt  }
0x42: {  	_ =	shalt  }
0x43: {  	_ =	shalt  }
0x44: {  	_ =	shalt  }
0x45: {  	_ =	shalt  }
0x46: {  	_ =	shalt  }
0x47: {  	_ =	shalt  }
0x48: {  	_ =	shalt  }
0x49: {  	_ =	shalt  }
0x4a: {  	_ =	shalt  }
0x4b: {  	_ =	shalt  }
0x4c: {  	_ =	shalt  }
0x4d: {  	_ =	shalt  }
0x4e: {  	_ =	shalt  }
0x4f: {  	_ =	shalt  }
0x50: {  	_ =	shalt  }
0x51: {  	_ =	shalt  }
0x52: {  	_ =	shalt  }
0x53: {  	_ =	shalt  }
0x54: {  	_ =	shalt  }
0x55: {  	_ =	shalt  }
0x56: {  	_ =	shalt  }
0x57: {  	_ =	shalt  }
0x58: {  	_ =	shalt  }
0x59: {  	_ =	shalt  }
0x5a: {  	_ =	shalt  }
0x5b: {  	_ =	shalt  }
0x5c: {  	_ =	shalt  }
0x5d: {  	_ =	shalt  }
0x5e: {  	_ =	shalt  }
0x5f: {  	_ =	shalt  }
0x60: {  	_ =	shalt  }
0x61: {  	_ =	shalt  }
0x62: {  	_ =	shalt  }
0x63: {  	_ =	shalt  }
0x64: {  	_ =	shalt  }
0x65: {  	_ =	shalt  }
0x66: {  	_ =	shalt  }
0x67: {  	_ =	shalt  }
0x68: {  	_ =	shalt  }
0x69: {  	_ =	shalt  }
0x6a: {  	_ =	shalt  }
0x6b: {  	_ =	shalt  }
0x6c: {  	_ =	shalt  }
0x6d: {  	_ =	shalt  }
0x6e: {  	_ =	shalt  }
0x6f: {  	_ =	shalt  }
0x70: {  	_ =	shalt  }
0x71: {  	_ =	shalt  }
0x72: {  	_ =	shalt  }
0x73: {  	_ =	shalt  }
0x74: {  	_ =	shalt  }
0x75: {  	_ =	shalt  }
0x76: {  	_ =	shalt  }
0x77: {  	_ =	shalt  }
0x78: {  	_ =	shalt  }
0x79: {  	_ =	shalt  }
0x7a: {  	_ =	shalt  }
0x7b: {  	_ =	shalt  }
0x7c: {  	_ =	shalt  }
0x7d: {  	_ =	shalt  }
0x7e: {  	_ =	shalt  }
0x7f: {  	_ =	shalt  }
0x80: {  	_ =	shalt  }
0x81: {  	_ =	shalt  }
0x82: {  	_ =	shalt  }
0x83: {  	_ =	shalt  }
0x84: {  	_ =	shalt  }
0x85: {  	_ =	shalt  }
0x86: {  	_ =	shalt  }
0x87: {  	_ =	shalt  }
.Lfunc_end0:
.L_simem_size_0:
called_computation_lowered:
.L_overlay_start_0:
0x88: {  	s0 =	sld [smem:$0x3FD9]  }
0x89: {  	s1 =	sld [smem:$0x3FFE];
	_ =	sdelay $0x3  }
0x8a: {  	s0 =	sadd.s32 s1, s0  }
0x8b: {  	[smem:$0x3FC2] =	sst s0  }
0x8c: {  	_ = 	snop  }
0x8d: {  	s0 =	sld [smem:$0x3FC9]  }
0x8e: {  	s16 =	sld [smem:$0x3FC6]  }
0x8f: {  	s2 =	sld [smem:$0x3FC5]  }
0x90: {  	s3 =	sld [smem:$0x3FC4]  }
0x91: {  	s4 =	sld [smem:$0x3FD0];
	(tm) =	ssettm $0x1  }
0x92: {  	s5 =	sld [smem:$0x3FFB];
	_ =	sdelay $0x3  }
0x93: {  	_ =	strace s5  }
0x94: {  	s5 =	sld [smem:$0x3FFC];
	_ =	sdelay $0x3  }
0x95: {  	_ =	strace s5  }
0x96: {  	s5 =	sld [smem:$0x3FFD];
	_ =	sdelay $0x3  }
0x97: {  	_ =	strace s5  }
0x98: {  	_ =	strace $0x8FFFFFFF  }
0x99: {  	s17 =	sld [smem:$0x3FDB];
	_ =	sdelay $0x1  }
0x9a: {  	s6 =	simm.s32 $_scs_section_size  }
0x9b: {  	s7 =	simm.s32 $_size__tile_overlayer_lowered;
	s8 =	simm.s32 $_tile_overlayer_lowered  }
0x9c: {  	s20 =	simm.s32 $0x1BFF;
	s19 =	sshll.u32 s8, $0x1;
	s5 =	sadd.s32 s6, s17  }
0x9d: {  	s9 =	simm.s32 $0x0;
	s18 =	sshll.u32 s7, $0x1;
	s7 =	sadd.s32 s19, s5  }
0x9e: {  	[timem:s9], [sflag:s20] =	dma.local [hbm:s7], s18  }
0x9f: {  	_ =	swait.ge [sflag:s20], s18  }
0xa0: {  	s6 =	ssub.s32 $0x0, s18;
	[sflag:s20] =	ssyncset.done $0x0  }
0xa1: {  	[sflag:s20] =	ssyncadd.s32 s6;
	_ =	sdelay $0x1  }
0xa2: {  	s21 =	simm.s32 $0x1B8B  }
0xa3: {  	_ =	swait.ge [sflag:s21], $0x1  }
0xa4: {  	[sflag:s21] =	ssyncset.done $0x0  }
0xa5: {  	s23 =	simm.s32 $0x1B8E;
	s22 =	sld [smem:$0x3FFE];
	[sflag:s21] =	ssyncadd.s32 $0xFFFFFFFF  }
0xa6: {  	s24 =	simm.s32 $execute0_lowered;
	[smem:$0x3FD2] =	sst s23  }
0xa7: {  	s7 =	sshll.u32 s24, $0x1;
	_ =	strace $0x80000046;
	[dreg:$0x1] =	wrdreg $0xFFFFFFFF  }
0xa8: {  	s25 =	simm.s32 $_size_execute0_lowered;
	s5 =	sadd.s32 s5, s7;
	[dreg:$0x0] =	wrdreg $0x0  }
0xa9: {  	s7 =	sshll.u32 s25, $0x1;
	[dreg:$0x2] =	wrdreg s5  }
0xaa: {  	[dreg:$0x3] =	wrdreg s7  }
0xab: {  	[dreg:$0x4] =	wrdreg $0xC0  }
0xac: {  	_ =	task [dreg:s9], $0x5FFFF  }
0xad: {  	[dreg:$0x1] =	wrdreg $0xFFFFFFFF  }
0xae: {  	[dreg:$0x0] =	wrdreg $0x60  }
0xaf: {  	[dreg:$0x2] =	wrdreg s0  }
0xb0: {  	[dreg:$0x3] =	wrdreg s22  }
0xb1: {  	[dreg:$0x4] =	wrdreg s16  }
0xb2: {  	[dreg:$0x5] =	wrdreg s2  }
0xb3: {  	[dreg:$0x6] =	wrdreg s3  }
0xb4: {  	[dreg:$0x7] =	wrdreg s4  }
0xb5: {  	[dreg:$0x8] =	wrdreg $0x9  }
0xb6: {  	_ =	task.clear_ibuf [dreg:s9], $0x9FFFF;
	_ =	strace $0x90000046  }
0xb7: {  	s26 =	simm.s32 $0x9;
	_ =	strace $0x80000048  }
0xb8: {  	_ =	swait.ge [sflag:s26], $0x1  }
0xb9: {  	[sflag:s26] =	ssyncadd.s32 $0xFFFFFFFF  }
0xba: {  	_ =	strace $0x90000048  }
0xbb: {  	_ =	sfence  }
0xbc: {  	s28 =	sld [smem:$0x0];
	_ =	sdelay $0x1  }
0xbd: {  	s29 =	srdreg.scid  }
0xbe: {  	s30 =	sshll.u32 s29, $0xD;
	s31 =	sshrl.u32 s29, $0x2  }
0xbf: {  	s1 =	sand.u32 $0x1, s29;
	s2 =	sand.u32 $0x4000, s30;
	s0 =	sadd.s32 s31, s28  }
0xc0: {  	s1 =	sor.u32 s2, s1;
	s0 =	sshll.u32 s0, $0x11  }
0xc1: {  	s0 =	sor.u32 s0, s1  }
0xc2: {  	s0 =	sadd.s32 $0x8F2B, s0  }
0xc3: {  	[sflag:s0] =	ssyncadd.remote.s32 $0x1  }
0xc4: {  	_ =	sfence.sel $0xFFFF  }
0xc5: {  	[dreg:$0x0] =	wrdreg $0xFFFFFFFF;
	(pc) =	sbr.abs _section_cstart, $3  }
0xc6: {  	[dreg:$0x1] =	wrdreg $0xFFFFFFFF  }
0xc7: {  	_ =	task.clear_ibuf [dreg:s9], $0x2FFFF;
	_ =	strace $0x9FFFFFFF  }
0xc8: {  	(tm) =	ssettm $0x7FFFFFFF  }
0xc9: {  	_ =	shalt  }
tec
execute0_lowered:
.L_overlay_start_1:
0x0: {  	(tag) =	ssettag $0x1  }
0x1: {  	s4 =	rddreg [dreg:$0x0]  }
0x2: {  	s6 =	rddreg [dreg:$0x1];
	s1 =	stileid.u32  }
0x3: {  	s11 =	rddreg [dreg:$0x2];
	p0 =	slt.u32 s1, $0x4  }
.Ltmp0:
0x4: {  	s10 =	rddreg [dreg:$0x3];
	(pc) =	sbr.rel @!p0 .LBB2_1-.Ltmp0, $4  }
0x5: {  	s3 =	rddreg [dreg:$0x4]  }
0x6: {  	s2 =	rddreg [dreg:$0x5];
	s9 =	simm.s32 $0x0  }
0x7: {  	[smem:$0x7FF] =	sst s9  }
0x8: {  	s0 =	rddreg [dreg:$0x6];
	_ =	strace $0x80000047  }
0x9: {  	s7 =	sshll.u32 s1, $0x4;
	v2 =	vlaneseq.u32  }
0xa: {  	v0 =	vor.u32 s7, v2  }
0xb: {  	[tilespmem:s9], [sflag:$0x2] =	stream.linear.gather [hbm4b:s4+s9], $0x32, $0x38;
	v1 =	vmin.u32 v0, $0x31;
	[tilespmem:$0x9000] =	vst v63  }
0xc: {  	s12 =	simm.s32 $0x2  }
0xd: {  	_ =	swait.ge [sflag:s12], $0x32  }
0xe: {  	[sflag:s12] =	ssyncset.done $0x0  }
0xf: {  	[sflag:s12] =	ssyncadd.s32 $0xFFFFFFCE  }
0x10: {  	v3 =	vld.idx.msk [tilespmem:v1+s9+$0x0], $0xffff;
	_ =	sdelay $0x4  }
0x11: {  	v4 =	vshll.u32 v3, $0x4  }
0x12: {  	(v2sf) =	vpush v4, $0x0  }
0x13: {  	(v2sf) =	vpush v4, $0x1;
	_ =	sdelay $0x5  }
0x14: {  	(v2sf) =	vpush v4, $0x2;
	_ =	sdelay $0x1  }
0x15: {  	(v2sf) =	vpush v4, $0x3;
	_ =	sdelay $0x5  }
0x16: {  	s5 =	spop (v2sf);
	(v2sf) =	vpush v4, $0x4  }
0x17: {  	s29 =	spop (v2sf);
	(v2sf) =	vpush v4, $0x5;
	_ =	sdelay $0x1  }
0x18: {  	s4 =	sadd.s32 $0xC00, s6;
	s5 =	sand.u32 $0x1FFFFF80, s5  }
0x19: {  	s8 =	simm.s32 $0x80;
	s5 =	sadd.s32 s4, s5  }
0x1a: {  	[tilespmem:s8], [sflag:$0x1] =	stream.linear.gather [hbm4b:s5+s9], $0x400, $0x38;
	[tilespmem:$0x9000] =	vst v63  }
0x1b: {  	s5 =	sand.u32 $0x1FFFFF80, s29  }
0x1c: {  	s13 =	simm.s32 $0x480;
	s30 =	spop (v2sf);
	(v2sf) =	vpush v4, $0x6;
	s5 =	sadd.s32 s4, s5  }
0x1d: {  	[tilespmem:s13], [sflag:$0x1] =	stream.linear.gather [hbm4b:s5+s9], $0x400, $0x38;
	[tilespmem:$0x9000] =	vst v63  }
0x1e: {  	s13 =	spop (v2sf);
	(v2sf) =	vpush v4, $0x7;
	_ =	sdelay $0x2  }
0x1f: {  	s5 =	sand.u32 $0x1FFFFF80, s30  }
0x20: {  	s31 =	simm.s32 $0x880;
	s5 =	sadd.s32 s4, s5  }
0x21: {  	[tilespmem:s31], [sflag:$0x1] =	stream.linear.gather [hbm4b:s5+s9], $0x400, $0x38;
	[tilespmem:$0x9000] =	vst v63  }
0x22: {  	s5 =	sand.u32 $0x1FFFFF80, s13;
	s15 =	spop (v2sf);
	(v2sf) =	vpush v4, $0x8  }
0x23: {  	s14 =	simm.s32 $0xC80;
	s5 =	sadd.s32 s4, s5;
	s17 =	spop (v2sf);
	(v2sf) =	vpush v4, $0x9  }
0x24: {  	[tilespmem:s14], [sflag:$0x1] =	stream.linear.gather [hbm4b:s5+s9], $0x400, $0x38;
	[tilespmem:$0x9000] =	vst v63  }
0x25: {  	s5 =	sand.u32 $0x1FFFFF80, s15;
	(v2sf) =	vpush v4, $0xA  }
0x26: {  	s16 =	simm.s32 $0x1080;
	s5 =	sadd.s32 s4, s5  }
0x27: {  	[tilespmem:s16], [sflag:$0x1] =	stream.linear.gather [hbm4b:s5+s9], $0x400, $0x38;
	[tilespmem:$0x9000] =	vst v63  }
0x28: {  	s5 =	sand.u32 $0x1FFFFF80, s17  }
0x29: {  	s18 =	simm.s32 $0x1480;
	s19 =	spop (v2sf);
	s5 =	sadd.s32 s4, s5  }
0x2a: {  	(v2sf) =	vpush v4, $0xB;
	[tilespmem:s18], [sflag:$0x1] =	stream.linear.gather [hbm4b:s5+s9], $0x400, $0x38;
	[tilespmem:$0x9000] =	vst v63  }
0x2b: {  	s5 =	sand.u32 $0x1FFFFF80, s19;
	s21 =	spop (v2sf);
	(v2sf) =	vpush v4, $0xC  }
0x2c: {  	s20 =	simm.s32 $0x1880;
	s5 =	sadd.s32 s4, s5  }
0x2d: {  	[tilespmem:s20], [sflag:$0x1] =	stream.linear.gather [hbm4b:s5+s9], $0x400, $0x38;
	[tilespmem:$0x9000] =	vst v63  }
0x2e: {  	s5 =	sand.u32 $0x1FFFFF80, s21  }
0x2f: {  	s22 =	simm.s32 $0x1C80;
	s5 =	sadd.s32 s4, s5  }
0x30: {  	[tilespmem:s22], [sflag:$0x1] =	stream.linear.gather [hbm4b:s5+s9], $0x400, $0x38;
	[tilespmem:$0x9000] =	vst v63  }
0x31: {  	s23 =	spop (v2sf);
	(v2sf) =	vpush v4, $0xD  }
0x32: {  	s25 =	spop (v2sf);
	(v2sf) =	vpush v4, $0xE  }
0x33: {  	s5 =	sand.u32 $0x1FFFFF80, s23  }
0x34: {  	s24 =	simm.s32 $0x2080;
	s5 =	sadd.s32 s4, s5;
	s28 =	spop (v2sf)  }
0x35: {  	(v2sf) =	vpush v4, $0xF;
	[tilespmem:s24], [sflag:$0x1] =	stream.linear.gather [hbm4b:s5+s9], $0x400, $0x38;
	[tilespmem:$0x9000] =	vst v63  }
0x36: {  	s5 =	sand.u32 $0x1FFFFF80, s25  }
0x37: {  	s26 =	simm.s32 $0x2480;
	s5 =	sadd.s32 s4, s5  }
0x38: {  	[tilespmem:s26], [sflag:$0x1] =	stream.linear.gather [hbm4b:s5+s9], $0x400, $0x38;
	[tilespmem:$0x9000] =	vst v63  }
0x39: {  	s14 =	simm.s32 $0x2880;
	s29 =	spop (v2sf);
	s5 =	sand.u32 $0x1FFFFF80, s28  }
0x3a: {  	s30 =	sand.u32 $0x1FFFFF80, s29;
	s31 =	spop (v2sf);
	s5 =	sadd.s32 s4, s5  }
0x3b: {  	[tilespmem:s14], [sflag:$0x1] =	stream.linear.gather [hbm4b:s5+s9], $0x400, $0x38;
	[tilespmem:$0x9000] =	vst v63  }
0x3c: {  	s15 =	simm.s32 $0x2C80;
	s16 =	sand.u32 $0x1FFFFF80, s31;
	s5 =	sadd.s32 s4, s30  }
0x3d: {  	[tilespmem:s15], [sflag:$0x1] =	stream.linear.gather [hbm4b:s5+s9], $0x400, $0x38;
	[tilespmem:$0x9000] =	vst v63  }
0x3e: {  	s18 =	simm.s32 $0x3080;
	s5 =	sadd.s32 s4, s16  }
0x3f: {  	[tilespmem:s18], [sflag:$0x1] =	stream.linear.gather [hbm4b:s5+s9], $0x400, $0x38;
	[tilespmem:$0x9000] =	vst v63  }
0x40: {  	s17 =	spop (v2sf)  }
0x41: {  	s19 =	sand.u32 $0x1FFFFF80, s17;
	s20 =	spop (v2sf)  }
0x42: {  	s21 =	simm.s32 $0x3480;
	s5 =	sadd.s32 s4, s19;
	s22 =	sand.u32 $0x1FFFFF80, s20  }
0x43: {  	[tilespmem:s21], [sflag:$0x1] =	stream.linear.gather [hbm4b:s5+s9], $0x400, $0x38;
	[tilespmem:$0x9000] =	vst v63  }
0x44: {  	s23 =	simm.s32 $0x3880;
	s24 =	spop (v2sf);
	s5 =	sadd.s32 s4, s22  }
0x45: {  	[tilespmem:s23], [sflag:$0x1] =	stream.linear.gather [hbm4b:s5+s9], $0x400, $0x38;
	[tilespmem:$0x9000] =	vst v63  }
0x46: {  	s5 =	sand.u32 $0x1FFFFF80, s24  }
0x47: {  	s25 =	simm.s32 $0x3C80;
	s4 =	sadd.s32 s4, s5  }
0x48: {  	[tilespmem:s25], [sflag:$0x1] =	stream.linear.gather [hbm4b:s4+s9], $0x400, $0x38;
	[tilespmem:$0x9000] =	vst v63  }
0x49: {  	s26 =	sadd.s32 $0x800, s6;
	s4 =	simm.s32 $0x4080  }
0x4a: {  	[tilespmem:s4], [sflag:$0x2] =	stream.linear.gather [hbm4b:s26+s9], $0x1E00, $0x38;
	[tilespmem:$0x9000] =	vst v63  }
0x4b: {  	_ =	swait.ge [sflag:s12], $0x1E00  }
0x4c: {  	[sflag:s12] =	ssyncset.done $0x0  }
0x4d: {  	s5 =	simm.s32 $0x6080;
	[sflag:s12] =	ssyncadd.s32 $0xFFFFE200  }
0x4e: {  	[tilespmem:s5], [sflag:$0x2] =	stream.linear.gather [hbm4b:s11+s9], $0x80, $0x38;
	[tilespmem:$0x9000] =	vst v63  }
0x4f: {  	_ =	swait.ge [sflag:s12], $0x80  }
0x50: {  	[sflag:s12] =	ssyncset.done $0x0  }
0x51: {  	s28 =	simm.s32 $0x6100;
	[sflag:s12] =	ssyncadd.s32 $0xFFFFFF80  }
0x52: {  	[tilespmem:s28], [sflag:$0x2] =	stream.linear.gather [hbm4b:s10+s9], $0xC00, $0x38;
	[tilespmem:$0x9000] =	vst v63  }
0x53: {  	_ =	swait.ge [sflag:s12], $0xC00  }
0x54: {  	[sflag:s12] =	ssyncset.done $0x0  }
0x55: {  	s29 =	simm.s32 $0x1;
	[sflag:s12] =	ssyncadd.s32 $0xFFFFF400  }
0x56: {  	_ =	swait.ge [sflag:s29], $0x400  }
0x57: {  	[sflag:s29] =	ssyncset.done $0x0  }
0x58: {  	[sflag:s29] =	ssyncadd.s32 $0xFFFFFC00  }
0x59: {  	_ =	swait.ge [sflag:s29], $0x400  }
0x5a: {  	[sflag:s29] =	ssyncset.done $0x0  }
0x5b: {  	[sflag:s29] =	ssyncadd.s32 $0xFFFFFC00  }
0x5c: {  	_ =	swait.ge [sflag:s29], $0x400  }
0x5d: {  	[sflag:s29] =	ssyncset.done $0x0  }
0x5e: {  	[sflag:s29] =	ssyncadd.s32 $0xFFFFFC00  }
0x5f: {  	_ =	swait.ge [sflag:s29], $0x400  }
0x60: {  	[sflag:s29] =	ssyncset.done $0x0  }
0x61: {  	[sflag:s29] =	ssyncadd.s32 $0xFFFFFC00  }
0x62: {  	_ =	swait.ge [sflag:s29], $0x400  }
0x63: {  	[sflag:s29] =	ssyncset.done $0x0  }
0x64: {  	[sflag:s29] =	ssyncadd.s32 $0xFFFFFC00  }
0x65: {  	_ =	swait.ge [sflag:s29], $0x400  }
0x66: {  	[sflag:s29] =	ssyncset.done $0x0  }
0x67: {  	[sflag:s29] =	ssyncadd.s32 $0xFFFFFC00  }
0x68: {  	_ =	swait.ge [sflag:s29], $0x400  }
0x69: {  	[sflag:s29] =	ssyncset.done $0x0  }
0x6a: {  	[sflag:s29] =	ssyncadd.s32 $0xFFFFFC00  }
0x6b: {  	_ =	swait.ge [sflag:s29], $0x400  }
0x6c: {  	[sflag:s29] =	ssyncset.done $0x0  }
0x6d: {  	[sflag:s29] =	ssyncadd.s32 $0xFFFFFC00  }
0x6e: {  	_ =	swait.ge [sflag:s29], $0x400  }
0x6f: {  	[sflag:s29] =	ssyncset.done $0x0  }
0x70: {  	[sflag:s29] =	ssyncadd.s32 $0xFFFFFC00  }
0x71: {  	_ =	swait.ge [sflag:s29], $0x400  }
0x72: {  	[sflag:s29] =	ssyncset.done $0x0  }
0x73: {  	[sflag:s29] =	ssyncadd.s32 $0xFFFFFC00  }
0x74: {  	_ =	swait.ge [sflag:s29], $0x400  }
0x75: {  	[sflag:s29] =	ssyncset.done $0x0  }
0x76: {  	[sflag:s29] =	ssyncadd.s32 $0xFFFFFC00  }
0x77: {  	_ =	swait.ge [sflag:s29], $0x400  }
0x78: {  	[sflag:s29] =	ssyncset.done $0x0  }
0x79: {  	[sflag:s29] =	ssyncadd.s32 $0xFFFFFC00  }
0x7a: {  	_ =	swait.ge [sflag:s29], $0x400  }
0x7b: {  	[sflag:s29] =	ssyncset.done $0x0  }
0x7c: {  	[sflag:s29] =	ssyncadd.s32 $0xFFFFFC00  }
0x7d: {  	_ =	swait.ge [sflag:s29], $0x400  }
0x7e: {  	[sflag:s29] =	ssyncset.done $0x0  }
0x7f: {  	v18 =	vmul.u32 $0x400, v2;
	v3 =	vshll.u32 v3, $0x7;
	[sflag:s29] =	ssyncadd.s32 $0xFFFFFC00  }
0x80: {  	v19 =	vand.u32 $0x380, v3;
	_ =	swait.ge [sflag:s29], $0x400  }
0x81: {  	v3 =	vor.u32 $0x1, v18;
	v2 =	vor.u32 v18, v19;
	[sflag:s29] =	ssyncset.done $0x0  }
0x82: {  	v5 =	vmov s9;
	v4 =	vor.u32 v3, v19;
	[sflag:s29] =	ssyncadd.s32 $0xFFFFFC00  }
0x83: {  	v20 =	vshll.u32 v5, $0x7;
	_ =	swait.ge [sflag:s29], $0x400  }
0x84: {  	[sflag:s29] =	ssyncset.done $0x0  }
0x85: {  	v7 =	vor.u32 $0x1, v20;
	[sflag:s29] =	ssyncadd.s32 $0xFFFFFC00  }
0x86: {  	v8 =	vor.u32 $0x2, v20;
	v6 =	vor.u32 $0x2, v18;
	v3 =	vld.idx.msk [tilespmem:v2+s8+$0x0], $0xffff  }
0x87: {  	v6 =	vor.u32 v6, v19;
	v2 =	vld.idx.msk [tilespmem:v4+s8+$0x0], $0xffff  }
0x88: {  	v12 =	vor.u32 $0x3, v20;
	v4 =	vor.u32 $0x3, v18;
	v10 =	vld.idx.msk [tilespmem:v20+s4+$0x0], $0xffff  }
0x89: {  	v11 =	vld.idx.msk [tilespmem:v5+s5+$0x0], $0xffff;
	v9 =	vor.u32 v4, v19  }
0x8a: {  	v14 =	vor.u32 $0x4, v20;
	v7 =	vld.idx.msk [tilespmem:v7+s4+$0x0], $0xffff;
	v4 =	vor.u32 $0x4, v18  }
0x8b: {  	v5 =	vor.u32 $0x5, v18;
	v8 =	vld.idx.msk [tilespmem:v8+s4+$0x0], $0xffff;
	v13 =	vor.u32 v4, v19  }
0x8c: {  	v15 =	vor.u32 v5, v19;
	v4 =	vld.idx.msk [tilespmem:v6+s8+$0x0], $0xffff;
	v6 =	vor.u32 $0x6, v18  }
0x8d: {  	v12 =	vld.idx.msk [tilespmem:v12+s4+$0x0], $0xffff;
	v16 =	vor.u32 v6, v19  }
0x8e: {  	v17 =	vor.u32 $0x7, v18;
	v10 =	vmul.f32 v10, v3;
	v5 =	vld.idx.msk [tilespmem:v9+s8+$0x0], $0xffff;
	v9 =	vor.u32 $0x5, v20  }
0x8f: {  	v17 =	vor.u32 v17, v19;
	v14 =	vld.idx.msk [tilespmem:v14+s4+$0x0], $0xffff  }
0x90: {  	v6 =	vld.idx.msk [tilespmem:v13+s8+$0x0], $0xffff;
	v13 =	vor.u32 $0x6, v20;
	v10 =	vadd.f32 v10, v11;
	v11 =	vmul.f32 v7, v2  }
0x91: {  	v21 =	vor.u32 $0x8, v18;
	v7 =	vld.idx.msk [tilespmem:v15+s8+$0x0], $0xffff;
	v15 =	vor.u32 $0x7, v20  }
0x92: {  	v21 =	vor.u32 v21, v19;
	v10 =	vadd.f32 v11, v10;
	v11 =	vmul.f32 v8, v4;
	v8 =	vld.idx.msk [tilespmem:v16+s8+$0x0], $0xffff  }
0x93: {  	v22 =	vor.u32 $0x9, v18;
	v16 =	vor.u32 $0x8, v20;
	v23 =	vld.idx.msk [tilespmem:v9+s4+$0x0], $0xffff  }
0x94: {  	v10 =	vadd.f32 v11, v10;
	v11 =	vmul.f32 v12, v5;
	v12 =	vor.u32 v22, v19;
	v9 =	vld.idx.msk [tilespmem:v17+s8+$0x0], $0xffff  }
0x95: {  	v22 =	vor.u32 $0xA, v18;
	v17 =	vor.u32 $0x9, v20;
	v13 =	vld.idx.msk [tilespmem:v13+s4+$0x0], $0xffff  }
0x96: {  	v14 =	vmul.f32 v14, v6;
	v22 =	vor.u32 v22, v19;
	v15 =	vld.idx.msk [tilespmem:v15+s4+$0x0], $0xffff;
	v11 =	vadd.f32 v11, v10  }
0x97: {  	v24 =	vor.u32 $0xB, v18;
	v10 =	vld.idx.msk [tilespmem:v21+s8+$0x0], $0xffff  }
0x98: {  	v21 =	vor.u32 $0xA, v20;
	v16 =	vld.idx.msk [tilespmem:v16+s4+$0x0], $0xffff;
	v14 =	vadd.f32 v14, v11;
	v23 =	vmul.f32 v23, v7  }
0x99: {  	v26 =	vor.u32 $0xB, v20;
	v24 =	vor.u32 v24, v19;
	v11 =	vld.idx.msk [tilespmem:v12+s8+$0x0], $0xffff  }
0x9a: {  	v25 =	vor.u32 $0xC, v18;
	v17 =	vld.idx.msk [tilespmem:v17+s4+$0x0], $0xffff;
	v13 =	vmul.f32 v13, v8;
	v14 =	vadd.f32 v23, v14  }
0x9b: {  	v12 =	vld.idx.msk [tilespmem:v22+s8+$0x0], $0xffff;
	v22 =	vor.u32 $0xC, v20;
	v23 =	vor.u32 v25, v19  }
0x9c: {  	v15 =	vmul.f32 v15, v9;
	v25 =	vor.u32 $0xD, v18;
	v14 =	vadd.f32 v13, v14  }
0x9d: {  	v27 =	vor.u32 $0xE, v18;
	v21 =	vld.idx.msk [tilespmem:v21+s4+$0x0], $0xffff;
	v25 =	vor.u32 v25, v19  }
0x9e: {  	v16 =	vmul.f32 v16, v10;
	v13 =	vld.idx.msk [tilespmem:v24+s8+$0x0], $0xffff;
	v24 =	vor.u32 $0xD, v20;
	v15 =	vadd.f32 v15, v14  }
0x9f: {  	v28 =	vor.u32 $0xF, v18;
	v27 =	vor.u32 v27, v19;
	v26 =	vld.idx.msk [tilespmem:v26+s4+$0x0], $0xffff  }
0xa0: {  	v17 =	vmul.f32 v17, v11;
	v14 =	vld.idx.msk [tilespmem:v23+s8+$0x0], $0xffff;
	v23 =	vor.u32 $0xE, v20;
	v16 =	vadd.f32 v16, v15  }
0xa1: {  	v29 =	vor.u32 $0x10, v18;
	v28 =	vor.u32 v28, v19;
	v22 =	vld.idx.msk [tilespmem:v22+s4+$0x0], $0xffff  }
0xa2: {  	v21 =	vmul.f32 v21, v12;
	v15 =	vld.idx.msk [tilespmem:v25+s8+$0x0], $0xffff;
	v25 =	vor.u32 $0xF, v20;
	v17 =	vadd.f32 v17, v16  }
0xa3: {  	v30 =	vor.u32 $0x11, v18;
	v29 =	vor.u32 v29, v19;
	v24 =	vld.idx.msk [tilespmem:v24+s4+$0x0], $0xffff  }
0xa4: {  	v26 =	vmul.f32 v26, v13;
	v16 =	vld.idx.msk [tilespmem:v27+s8+$0x0], $0xffff;
	v27 =	vor.u32 $0x10, v20;
	v21 =	vadd.f32 v21, v17  }
0xa5: {  	v39 =	vor.u32 $0x11, v20;
	v30 =	vor.u32 v30, v19;
	v23 =	vld.idx.msk [tilespmem:v23+s4+$0x0], $0xffff  }
0xa6: {  	v31 =	vor.u32 $0x12, v18;
	v17 =	vld.idx.msk [tilespmem:v28+s8+$0x0], $0xffff;
	v22 =	vmul.f32 v22, v14;
	v21 =	vadd.f32 v26, v21  }
0xa7: {  	v41 =	vor.u32 $0x12, v20;
	v25 =	vld.idx.msk [tilespmem:v25+s4+$0x0], $0xffff;
	v26 =	vor.u32 v31, v19  }
0xa8: {  	v40 =	vor.u32 $0x13, v18;
	v18 =	vld.idx.msk [tilespmem:v29+s8+$0x0], $0xffff;
	v21 =	vadd.f32 v22, v21;
	v22 =	vmul.f32 v24, v15  }
0xa9: {  	v27 =	vld.idx.msk [tilespmem:v27+s4+$0x0], $0xffff;
	v24 =	vor.u32 v40, v19  }
0xaa: {  	v42 =	vor.u32 $0x13, v20;
	v19 =	vld.idx.msk [tilespmem:v30+s8+$0x0], $0xffff;
	v21 =	vadd.f32 v22, v21;
	v22 =	vmul.f32 v23, v16  }
0xab: {  	v23 =	vld.idx.msk [tilespmem:v39+s4+$0x0], $0xffff  }
0xac: {  	v25 =	vmul.f32 v25, v17;
	v20 =	vld.idx.msk [tilespmem:v26+s8+$0x0], $0xffff;
	v22 =	vadd.f32 v22, v21  }
0xad: {  	v26 =	vld.idx.msk [tilespmem:v41+s4+$0x0], $0xffff  }
0xae: {  	v21 =	vld.idx.msk [tilespmem:v24+s8+$0x0], $0xffff;
	v24 =	vmul.f32 v27, v18;
	v22 =	vadd.f32 v25, v22  }
0xaf: {  	v25 =	vld.idx.msk [tilespmem:v42+s4+$0x0], $0xffff  }
0xb0: {  	v23 =	vmul.f32 v23, v19;
	v22 =	vadd.f32 v24, v22;
	_ =	sdelay $0x1  }
0xb1: {  	s30 =	simm.s32 $0x1;
	v22 =	vadd.f32 v23, v22;
	v23 =	vmul.f32 v26, v20  }
0xb2: {  	v24 =	vmov s30  }
0xb3: {  	v26 =	vshll.u32 v24, $0x7;
	v22 =	vadd.f32 v23, v22;
	v23 =	vmul.f32 v25, v21;
	_ =	sdelay $0x1  }
0xb4: {  	v25 =	vor.u32 $0x1, v26;
	v22 =	vadd.f32 v23, v22  }
0xb5: {  	s8 =	simm.s32 $0x6D00  }
0xb6: {  	v23 =	vor.u32 $0x2, v26;
	[tilespmem:s8+$0x0] =	vst v22  }
0xb7: {  	v27 =	vld.idx.msk [tilespmem:v26+s4+$0x0], $0xffff  }
0xb8: {  	v43 =	vor.u32 $0x3, v26;
	v24 =	vld.idx.msk [tilespmem:v24+s5+$0x0], $0xffff  }
0xb9: {  	v25 =	vld.idx.msk [tilespmem:v25+s4+$0x0], $0xffff  }
0xba: {  	v44 =	vor.u32 $0x4, v26  }
0xbb: {  	v23 =	vld.idx.msk [tilespmem:v23+s4+$0x0], $0xffff  }
0xbc: {  	v45 =	vor.u32 $0x5, v26;
	v27 =	vmul.f32 v27, v3  }
0xbd: {  	v28 =	vld.idx.msk [tilespmem:v43+s4+$0x0], $0xffff  }
0xbe: {  	v46 =	vor.u32 $0x6, v26;
	v25 =	vmul.f32 v25, v2;
	v24 =	vadd.f32 v27, v24  }
0xbf: {  	v27 =	vld.idx.msk [tilespmem:v44+s4+$0x0], $0xffff  }
0xc0: {  	v47 =	vor.u32 $0x7, v26;
	v23 =	vmul.f32 v23, v4;
	v24 =	vadd.f32 v25, v24  }
0xc1: {  	v25 =	vld.idx.msk [tilespmem:v45+s4+$0x0], $0xffff  }
0xc2: {  	v48 =	vor.u32 $0x8, v26;
	v23 =	vadd.f32 v23, v24;
	v24 =	vmul.f32 v28, v5  }
0xc3: {  	v49 =	vld.idx.msk [tilespmem:v46+s4+$0x0], $0xffff  }
0xc4: {  	v50 =	vor.u32 $0x9, v26;
	v23 =	vadd.f32 v24, v23;
	v24 =	vmul.f32 v27, v6  }
0xc5: {  	v27 =	vld.idx.msk [tilespmem:v47+s4+$0x0], $0xffff  }
0xc6: {  	v51 =	vor.u32 $0xA, v26;
	v23 =	vadd.f32 v24, v23;
	v24 =	vmul.f32 v25, v7  }
0xc7: {  	v25 =	vld.idx.msk [tilespmem:v48+s4+$0x0], $0xffff  }
0xc8: {  	v52 =	vor.u32 $0xB, v26;
	v23 =	vadd.f32 v24, v23;
	v24 =	vmul.f32 v49, v8  }
0xc9: {  	v53 =	vld.idx.msk [tilespmem:v50+s4+$0x0], $0xffff  }
0xca: {  	v54 =	vor.u32 $0xC, v26;
	v23 =	vadd.f32 v24, v23;
	v24 =	vmul.f32 v27, v9  }
0xcb: {  	v27 =	vld.idx.msk [tilespmem:v51+s4+$0x0], $0xffff  }
0xcc: {  	v55 =	vor.u32 $0xD, v26;
	v23 =	vadd.f32 v24, v23;
	v24 =	vmul.f32 v25, v10  }
0xcd: {  	v25 =	vld.idx.msk [tilespmem:v52+s4+$0x0], $0xffff  }
0xce: {  	v56 =	vor.u32 $0xE, v26;
	v23 =	vadd.f32 v24, v23;
	v24 =	vmul.f32 v53, v11  }
0xcf: {  	v57 =	vld.idx.msk [tilespmem:v54+s4+$0x0], $0xffff  }
0xd0: {  	v58 =	vor.u32 $0xF, v26;
	v23 =	vadd.f32 v24, v23;
	v24 =	vmul.f32 v27, v12  }
0xd1: {  	v27 =	vld.idx.msk [tilespmem:v55+s4+$0x0], $0xffff  }
0xd2: {  	v59 =	vor.u32 $0x10, v26;
	v23 =	vadd.f32 v24, v23;
	v24 =	vmul.f32 v25, v13  }
0xd3: {  	v25 =	vld.idx.msk [tilespmem:v56+s4+$0x0], $0xffff  }
0xd4: {  	v23 =	vadd.f32 v24, v23;
	v24 =	vmul.f32 v57, v14  }
0xd5: {  	v60 =	vor.u32 $0x11, v26;
	v61 =	vld.idx.msk [tilespmem:v58+s4+$0x0], $0xffff  }
0xd6: {  	v23 =	vadd.f32 v24, v23;
	v24 =	vmul.f32 v27, v15  }
0xd7: {  	v62 =	vor.u32 $0x12, v26;
	v27 =	vld.idx.msk [tilespmem:v59+s4+$0x0], $0xffff  }
0xd8: {  	v23 =	vadd.f32 v24, v23;
	v24 =	vmul.f32 v25, v16  }
0xd9: {  	v26 =	vor.u32 $0x13, v26  }
0xda: {  	v25 =	vld.idx.msk [tilespmem:v60+s4+$0x0], $0xffff;
	v23 =	vadd.f32 v24, v23;
	v24 =	vmul.f32 v61, v17;
	_ =	sdelay $0x1  }
0xdb: {  	v63 =	vld.idx.msk [tilespmem:v62+s4+$0x0], $0xffff;
	v23 =	vadd.f32 v24, v23;
	v24 =	vmul.f32 v27, v18;
	_ =	sdelay $0x1  }
0xdc: {  	v23 =	vadd.f32 v24, v23;
	v24 =	vld.idx.msk [tilespmem:v26+s4+$0x0], $0xffff  }
0xdd: {  	v25 =	vmul.f32 v25, v19;
	_ =	sdelay $0x1  }
0xde: {  	s6 =	sadd.s32 $0x187600, s6;
	s31 =	simm.s32 $0x2;
	v27 =	vimm.f32 $-3.000000010e+38;
	v26 =	vmul.f32 v63, v20;
	v25 =	vadd.f32 v25, v23  }
0xdf: {  	v1 =	vmul.u32 $0x3C, v1;
	s7 =	sadd.s32 s6, s7;
	s10 =	simm.s32 $0x3;
	s9 =	simm.s32 $0x6D00;
	v22 =	vmax.f32 v27, v22;
	v23 =	vmov s31  }
.LBB2_3:
0xe0: {  	p0 =	sne.s32 s10, $0x3B;
	v27 =	vshll.u32 v23, $0x7;
	v25 =	vadd.f32 v26, v25;
	v24 =	vmul.f32 v24, v21;
	_ =	sdelay $0x1  }
0xe1: {  	v26 =	vor.u32 $0x1, v27;
	v24 =	vadd.f32 v24, v25  }
0xe2: {  	s9 =	sadd.s32 $0x80, s9  }
0xe3: {  	v25 =	vor.u32 $0x2, v27;
	[tilespmem:s9+$0x0] =	vst v24;
	v22 =	vmax.f32 v22, v24  }
0xe4: {  	v24 =	vld.idx.msk [tilespmem:v27+s4+$0x0], $0xffff  }
0xe5: {  	v28 =	vor.u32 $0x3, v27;
	v23 =	vld.idx.msk [tilespmem:v23+s5+$0x0], $0xffff  }
0xe6: {  	v26 =	vld.idx.msk [tilespmem:v26+s4+$0x0], $0xffff  }
0xe7: {  	v29 =	vor.u32 $0x4, v27  }
0xe8: {  	v25 =	vld.idx.msk [tilespmem:v25+s4+$0x0], $0xffff  }
0xe9: {  	v30 =	vor.u32 $0x5, v27  }
0xea: {  	v24 =	vmul.f32 v24, v3;
	v28 =	vld.idx.msk [tilespmem:v28+s4+$0x0], $0xffff  }
0xeb: {  	v31 =	vor.u32 $0x6, v27  }
0xec: {  	v23 =	vadd.f32 v24, v23;
	v24 =	vmul.f32 v26, v2;
	v26 =	vld.idx.msk [tilespmem:v29+s4+$0x0], $0xffff  }
0xed: {  	v29 =	vor.u32 $0x7, v27  }
0xee: {  	v23 =	vadd.f32 v24, v23;
	v24 =	vmul.f32 v25, v4;
	v25 =	vld.idx.msk [tilespmem:v30+s4+$0x0], $0xffff  }
0xef: {  	v30 =	vor.u32 $0x8, v27  }
0xf0: {  	v23 =	vadd.f32 v24, v23;
	v24 =	vmul.f32 v28, v5;
	v28 =	vld.idx.msk [tilespmem:v31+s4+$0x0], $0xffff  }
0xf1: {  	v31 =	vor.u32 $0x9, v27  }
0xf2: {  	v23 =	vadd.f32 v24, v23;
	v24 =	vmul.f32 v26, v6;
	v26 =	vld.idx.msk [tilespmem:v29+s4+$0x0], $0xffff  }
0xf3: {  	v29 =	vor.u32 $0xA, v27  }
0xf4: {  	v23 =	vadd.f32 v24, v23;
	v24 =	vmul.f32 v25, v7;
	v25 =	vld.idx.msk [tilespmem:v30+s4+$0x0], $0xffff  }
0xf5: {  	v30 =	vor.u32 $0xB, v27  }
0xf6: {  	v23 =	vadd.f32 v24, v23;
	v24 =	vmul.f32 v28, v8;
	v28 =	vld.idx.msk [tilespmem:v31+s4+$0x0], $0xffff  }
0xf7: {  	v31 =	vor.u32 $0xC, v27  }
0xf8: {  	v23 =	vadd.f32 v24, v23;
	v24 =	vmul.f32 v26, v9;
	v26 =	vld.idx.msk [tilespmem:v29+s4+$0x0], $0xffff  }
0xf9: {  	v29 =	vor.u32 $0xD, v27  }
0xfa: {  	v23 =	vadd.f32 v24, v23;
	v24 =	vmul.f32 v25, v10;
	v25 =	vld.idx.msk [tilespmem:v30+s4+$0x0], $0xffff  }
0xfb: {  	v30 =	vor.u32 $0xE, v27  }
0xfc: {  	v23 =	vadd.f32 v24, v23;
	v24 =	vmul.f32 v28, v11;
	v28 =	vld.idx.msk [tilespmem:v31+s4+$0x0], $0xffff  }
0xfd: {  	v31 =	vor.u32 $0xF, v27  }
0xfe: {  	v23 =	vadd.f32 v24, v23;
	v24 =	vmul.f32 v26, v12;
	v26 =	vld.idx.msk [tilespmem:v29+s4+$0x0], $0xffff  }
0xff: {  	v29 =	vor.u32 $0x10, v27  }
0x100: {  	v23 =	vadd.f32 v24, v23;
	v24 =	vmul.f32 v25, v13;
	v25 =	vld.idx.msk [tilespmem:v30+s4+$0x0], $0xffff  }
0x101: {  	v30 =	vor.u32 $0x11, v27  }
0x102: {  	v23 =	vadd.f32 v24, v23;
	v24 =	vmul.f32 v28, v14;
	v28 =	vld.idx.msk [tilespmem:v31+s4+$0x0], $0xffff  }
0x103: {  	v31 =	vor.u32 $0x12, v27  }
0x104: {  	v23 =	vadd.f32 v24, v23;
	v24 =	vmul.f32 v26, v15;
	v26 =	vld.idx.msk [tilespmem:v29+s4+$0x0], $0xffff  }
0x105: {  	v27 =	vor.u32 $0x13, v27  }
0x106: {  	v23 =	vadd.f32 v24, v23;
	v24 =	vmul.f32 v25, v16;
	v25 =	vld.idx.msk [tilespmem:v30+s4+$0x0], $0xffff;
	_ =	sdelay $0x1  }
0x107: {  	v23 =	vadd.f32 v24, v23;
	v24 =	vmul.f32 v28, v17;
	v28 =	vld.idx.msk [tilespmem:v31+s4+$0x0], $0xffff;
	_ =	sdelay $0x1  }
0x108: {  	v23 =	vadd.f32 v24, v23;
	v26 =	vmul.f32 v26, v18;
	v24 =	vld.idx.msk [tilespmem:v27+s4+$0x0], $0xffff  }
.Ltmp1:
0x109: {  	(pc) =	sbr.rel @p0 .LBB2_3-.Ltmp1, $3  }
0x10a: {  	v23 =	vadd.f32 v26, v23;
	v25 =	vmul.f32 v25, v19;
	_ =	sdelay $0x1  }
0x10b: {  	v25 =	vadd.f32 v25, v23;
	v26 =	vmul.f32 v28, v20  }
0x10c: {  	v23 =	vmov s10;
	s10 =	sadd.s32 $0x1, s10  }
0x10d: {  	v27 =	vshll.u32 v23, $0x7;
	v25 =	vadd.f32 v26, v25;
	v24 =	vmul.f32 v24, v21;
	_ =	sdelay $0x1  }
0x10e: {  	v51 =	vor.u32 $0x1, v27;
	v24 =	vadd.f32 v24, v25  }
0x10f: {  	s9 =	sadd.s32 $0x80, s9  }
0x110: {  	v52 =	vor.u32 $0x2, v27;
	[tilespmem:s9+$0x0] =	vst v24  }
0x111: {  	v28 =	vld.idx.msk [tilespmem:v27+s4+$0x0], $0xffff  }
0x112: {  	v29 =	vor.u32 $0x3, v27;
	v53 =	vld.idx.msk [tilespmem:v23+s5+$0x0], $0xffff  }
0x113: {  	v26 =	vld.idx.msk [tilespmem:v51+s4+$0x0], $0xffff  }
0x114: {  	v30 =	vor.u32 $0x4, v27  }
0x115: {  	v25 =	vld.idx.msk [tilespmem:v52+s4+$0x0], $0xffff  }
0x116: {  	v54 =	vor.u32 $0x5, v27;
	v3 =	vmul.f32 v28, v3  }
0x117: {  	v29 =	vld.idx.msk [tilespmem:v29+s4+$0x0], $0xffff  }
0x118: {  	v55 =	vor.u32 $0x6, v27;
	v2 =	vmul.f32 v26, v2;
	v3 =	vadd.f32 v3, v53  }
0x119: {  	v56 =	vld.idx.msk [tilespmem:v30+s4+$0x0], $0xffff  }
0x11a: {  	v57 =	vor.u32 $0x7, v27;
	v2 =	vadd.f32 v2, v3;
	v3 =	vmul.f32 v25, v4  }
0x11b: {  	v4 =	vld.idx.msk [tilespmem:v54+s4+$0x0], $0xffff  }
0x11c: {  	v58 =	vor.u32 $0x8, v27;
	v2 =	vadd.f32 v3, v2;
	v3 =	vmul.f32 v29, v5  }
0x11d: {  	v5 =	vld.idx.msk [tilespmem:v55+s4+$0x0], $0xffff  }
0x11e: {  	v59 =	vor.u32 $0x9, v27;
	v2 =	vadd.f32 v3, v2;
	v3 =	vmul.f32 v56, v6  }
0x11f: {  	v6 =	vld.idx.msk [tilespmem:v57+s4+$0x0], $0xffff  }
0x120: {  	v60 =	vor.u32 $0xA, v27;
	v2 =	vadd.f32 v3, v2;
	v3 =	vmul.f32 v4, v7  }
0x121: {  	v4 =	vld.idx.msk [tilespmem:v58+s4+$0x0], $0xffff  }
0x122: {  	v7 =	vor.u32 $0xB, v27;
	v2 =	vadd.f32 v3, v2;
	v3 =	vmul.f32 v5, v8  }
0x123: {  	v5 =	vld.idx.msk [tilespmem:v59+s4+$0x0], $0xffff  }
0x124: {  	v8 =	vor.u32 $0xC, v27;
	v2 =	vadd.f32 v3, v2;
	v3 =	vmul.f32 v6, v9  }
0x125: {  	v6 =	vld.idx.msk [tilespmem:v60+s4+$0x0], $0xffff  }
0x126: {  	v61 =	vor.u32 $0xD, v27;
	v2 =	vadd.f32 v3, v2;
	v3 =	vmul.f32 v4, v10  }
0x127: {  	v4 =	vld.idx.msk [tilespmem:v7+s4+$0x0], $0xffff  }
0x128: {  	v7 =	vor.u32 $0xE, v27;
	v2 =	vadd.f32 v3, v2;
	v3 =	vmul.f32 v5, v11  }
0x129: {  	v5 =	vld.idx.msk [tilespmem:v8+s4+$0x0], $0xffff  }
0x12a: {  	v8 =	vor.u32 $0xF, v27;
	v2 =	vadd.f32 v3, v2;
	v3 =	vmul.f32 v6, v12  }
0x12b: {  	v6 =	vld.idx.msk [tilespmem:v61+s4+$0x0], $0xffff  }
0x12c: {  	v62 =	vor.u32 $0x10, v27;
	v2 =	vadd.f32 v3, v2;
	v3 =	vmul.f32 v4, v13  }
0x12d: {  	v4 =	vld.idx.msk [tilespmem:v7+s4+$0x0], $0xffff  }
0x12e: {  	v7 =	vor.u32 $0x11, v27;
	v2 =	vadd.f32 v3, v2;
	v3 =	vmul.f32 v5, v14  }
0x12f: {  	v5 =	vld.idx.msk [tilespmem:v8+s4+$0x0], $0xffff  }
0x130: {  	v8 =	vor.u32 $0x12, v27;
	v2 =	vadd.f32 v3, v2;
	v3 =	vmul.f32 v6, v15  }
0x131: {  	v6 =	vld.idx.msk [tilespmem:v62+s4+$0x0], $0xffff  }
0x132: {  	v63 =	vor.u32 $0x13, v27;
	v2 =	vadd.f32 v3, v2;
	v3 =	vmul.f32 v4, v16  }
0x133: {  	v4 =	vld.idx.msk [tilespmem:v7+s4+$0x0], $0xffff  }
0x134: {  	v2 =	vadd.f32 v3, v2;
	v3 =	vmul.f32 v5, v17  }
0x135: {  	v5 =	vld.idx.msk [tilespmem:v8+s4+$0x0], $0xffff  }
0x136: {  	v2 =	vadd.f32 v3, v2;
	v3 =	vmul.f32 v6, v18  }
0x137: {  	v6 =	vld.idx.msk [tilespmem:v63+s4+$0x0], $0xffff  }
0x138: {  	v2 =	vadd.f32 v3, v2;
	v3 =	vmul.f32 v4, v19;
	_ =	sdelay $0x1  }
0x139: {  	v2 =	vadd.f32 v3, v2;
	v3 =	vmul.f32 v5, v20;
	_ =	sdelay $0x1  }
0x13a: {  	v2 =	vadd.f32 v3, v2;
	v3 =	vmul.f32 v6, v21;
	_ =	sdelay $0x1  }
0x13b: {  	v2 =	vadd.f32 v3, v2  }
0x13c: {  	s26 =	sadd.s32 $0x80, s9  }
0x13d: {  	[tilespmem:s26+$0x0] =	vst v2  }
0x13e: {  	v3 =	vld [tilespmem:s8+$0x0];
	_ =	sdelay $0x2  }
0x13f: {  	v5 =	vmax.f32 v22, v24  }
0x140: {  	s28 =	simm.s32 $0x6D80;
	v2 =	vmax.f32 v5, v2  }
0x141: {  	v4 =	vld [tilespmem:s28+$0x0];
	v3 =	vsub.f32 v3, v2;
	_ =	sdelay $0x1  }
0x142: {  	v3 =	vmul.f32 $1.442695020e+00, v3  }
0x143: {  	s29 =	simm.s32 $0x0  }
0x144: {  	v6 =	vadd.s32 s29, v1;
	(erf) = vpow2.f32 v3  }
0x145: {  	v4 =	vsub.f32 v4, v2  }
0x146: {  	s30 =	simm.s32 $0x6E00  }
0x147: {  	v7 =	vld [tilespmem:s30+$0x0];
	v8 =	vmul.f32 $1.442695020e+00, v4  }
0x148: {  	s31 =	simm.s32 $0x1;
	s4 =	simm.s32 $0x6100  }
0x149: {  	v4 =	vadd.s32 s31, v1;
	v3 =	vld.idx.msk [tilespmem:v6+s4+$0x0], $0xffff;
	(erf) = vpow2.f32 v8;
	_ =	sdelay $0x2  }
0x14a: {  	s9 =	simm.s32 $0x6E80;
	s5 =	simm.s32 $0x2;
	v5 =	vimm.f32 $0.0e+00;
	s8 =	simm.s32 $0x3;
	v7 =	vsub.f32 v7, v2;
	v6 =	vimm.f32 $0.0e+00  }
.LBB2_5:
0x14b: {  	v8 =	vld [tilespmem:s9+$0x0];
	p0 =	sne.s32 s8, $0x3B;
	v9 =	vpop (erf);
	s10 =	smov.u32 s8;
	s8 =	sadd.s32 $0x1, s8  }
.Ltmp2:
0x14c: {  	v7 =	vmul.f32 $1.442695020e+00, v7;
	v5 =	vadd.f32 v9, v5;
	v9 =	vmul.f32 v9, v3;
	v3 =	vld.idx.msk [tilespmem:v4+s4+$0x0], $0xffff;
	(pc) =	sbr.rel @p0 .LBB2_5-.Ltmp2, $3  }
0x14d: {  	v4 =	vadd.s32 s5, v1;
	s5 =	smov.u32 s10  }
0x14e: {  	(erf) = vpow2.f32 v7;
	v6 =	vadd.f32 v9, v6;
	_ =	sdelay $0x1  }
0x14f: {  	s9 =	sadd.s32 $0x80, s9;
	v7 =	vsub.f32 v8, v2  }
0x150: {  	_ = 	snop  }
0x151: {  	v2 =	vmul.f32 $1.442695020e+00, v7;
	_ =	sdelay $0x1  }
0x152: {  	(erf) = vpow2.f32 v2;
	_ =	sdelay $0x4  }
0x153: {  	v60 =	vpop (erf)  }
0x154: {  	v5 =	vadd.f32 v60, v5  }
0x155: {  	v61 =	vpop (erf)  }
0x156: {  	v1 =	vadd.s32 s5, v1;
	v5 =	vadd.f32 v61, v5  }
0x157: {  	v8 =	vpop (erf)  }
0x158: {  	v5 =	vadd.f32 v8, v5  }
0x159: {  	v4 =	vld.idx.msk [tilespmem:v4+s4+$0x0], $0xffff  }
0x15a: {  	(erf) = vrcp.f32 v5  }
0x15b: {  	v1 =	vld.idx.msk [tilespmem:v1+s4+$0x0], $0xffff  }
0x15c: {  	v2 =	vmul.f32 v60, v3;
	_ =	sdelay $0x1  }
0x15d: {  	v2 =	vadd.f32 v2, v6;
	v62 =	vmul.f32 v61, v4;
	_ =	sdelay $0x1  }
0x15e: {  	v2 =	vadd.f32 v62, v2;
	v1 =	vmul.f32 v8, v1;
	_ =	sdelay $0x1  }
0x15f: {  	v1 =	vadd.f32 v1, v2  }
0x160: {  	v63 =	vpop (erf)  }
0x161: {  	v1 =	vmul.f32 v63, v1  }
0x162: {  	vm0 =	vlt.u32 v0, $0x32  }
0x163: {  	v0 =	vnsel vm0, $0x0, v1  }
0x164: {  	s8 =	simm.s32 $0x8D00;
	s5 =	simm.s32 $0x2;
	s4 =	simm.s32 $0x0;
	[tilespmem:$0x8D00] =	vst v0  }
0x165: {  	[hbm4b:s7+s4] =	stream.linear.scatter [tilespmem:s8], [sflag:$0x2], $0x80, $0x38;
	[tilespmem:$0x9000] =	vst v63  }
0x166: {  	_ =	swait.ge [sflag:s5], $0x80  }
0x167: {  	[sflag:s5] =	ssyncset.done $0x0  }
0x168: {  	[sflag:s5] =	ssyncadd.s32 $0xFFFFFF80  }
0x169: {  	p0 =	sne.s32 s1, $0x0;
	[bflag:$0x0] =	sbarrier.arrive $0xFFFF  }
0x16a: {  	_ =	sfence.sel @p0 $0x180000  }
0x16b: {  	[bflag:$0x0] =	sbarrier.arrive @p0 $0xFFFF  }
0x16c: {  	_ =	strace @p0 $0x90000047  }
0x16d: {  	[bflag:$0x2] =	sbarrier.arrive @p0 $0xFFFF  }
0x16e: {  	_ =	shalt @p0  }
.LBB2_7:
0x16f: {  	s7 =	simm.s32 $0x8F80  }
0x170: {  	[tilespmem:s7], [sflag:$0x2] =	stream.linear.gather [hbm4b:s3+s4], $0x80, $0x38;
	[tilespmem:$0x9000] =	vst v63  }
0x171: {  	_ =	swait.ge [sflag:s5], $0x80  }
0x172: {  	[sflag:s5] =	ssyncset.done $0x0  }
0x173: {  	s31 =	simm.s32 $0x8D80;
	[sflag:s5] =	ssyncadd.s32 $0xFFFFFF80  }
0x174: {  	[tilespmem:s31], [sflag:$0x2] =	stream.linear.gather [hbm4b:s6+s4], $0x200, $0x38;
	[tilespmem:$0x9000] =	vst v63  }
0x175: {  	_ =	swait.ge [sflag:s5], $0x200  }
0x176: {  	[sflag:s5] =	ssyncset.done $0x0  }
0x177: {  	[sflag:s5] =	ssyncadd.s32 $0xFFFFFE00  }
0x178: {  	v0 =	vld [tilespmem:$0x8D80]  }
0x179: {  	v1 =	vld [tilespmem:$0x8E00];
	_ =	sdelay $0x1  }
0x17a: {  	v2 =	vld [tilespmem:$0x8E80];
	_ =	sdelay $0x1  }
0x17b: {  	v3 =	vld [tilespmem:$0x8F00]  }
0x17c: {  	v0 =	vadd.f32 v1, v0;
	_ =	sdelay $0x1  }
0x17d: {  	v0 =	vadd.f32 v2, v0;
	_ =	sdelay $0x1  }
0x17e: {  	v0 =	vadd.f32 v3, v0;
	_ =	sdelay $0x1  }
0x17f: {  	(xrf2) =	vadd.scan.msk.f32 $0xffff, v0;
	_ =	sdelay $0x7  }
0x180: {  	v62 =	vld.msk [tilespmem:s7+$0x0], $0xffff;
	_ =	sdelay $0x1  }
0x181: {  	v63, _, _ =	vpop (xrf2)  }
0x182: {  	v1 =	vbroadcast v63, $0xF;
	_ =	sdelay $0x1  }
0x183: {  	v0 =	vadd.f32 v1, v62;
	_ =	sdelay $0x1  }
0x184: {  	v0 =	vmax.f32 v0, $0.0e+00  }
.Ltmp3:
0x185: {  	[tilespmem:$0x8D00] =	vst v0;
	(pc) =	sbr.rel .LBB2_8-.Ltmp3, $4  }
0x186: {  	[hbm4b:s2+s4] =	stream.linear.scatter [tilespmem:s8], [sflag:$0x2], $0x1, $0x38;
	[tilespmem:$0x9000] =	vst v63  }
0x187: {  	_ =	swait.ge [sflag:s5], $0x1  }
0x188: {  	[sflag:s5] =	ssyncset.done $0x0  }
0x189: {  	[sflag:s5] =	ssyncadd.s32 $0xFFFFFFFF  }
.LBB2_1:
0x18a: {  	[bflag:$0x0] =	sbarrier.arrive $0xFFFF  }
.LBB2_8:
0x18b: {  	_ =	sfence.sel $0x180000  }
0x18c: {  	[bflag:$0x0] =	sbarrier.arrive $0xFFFF  }
0x18d: {  	p0 =	sne.s32 s1, $0x0;
	_ =	strace $0x90000047  }
0x18e: {  	s0 =	sadd.s32 @!p0 $0x100000, s0;
	[bflag:$0x2] =	sbarrier.arrive $0xFFFF  }
0x18f: {  	[sflag:s0] =	ssyncadd.tile.s32 @!p0 $0x1;
	_ =	shalt  }
.Lfunc_end2:
_tile_overlayer_lowered:
.L_overlay_start_2:
0x190: {  	(tag) =	ssettag $0x2  }
0x191: {  	s0 =	rddreg [dreg:$0x0];
	s2 =	stileid.u32  }
0x192: {  	s1 =	rddreg [dreg:$0x1];
	p0 =	sne.s32 s2, $0x0  }
0x193: {  	s3 =	rddreg [dreg:$0x2];
	[bflag:$0x3] =	sbarrier.arrive $0xFFFF;
	s2 =	simm.s32 @!p0 $0x1C02  }
0x194: {  	[timem:s3], [sflag:s2] =	dma.local @!p0 [hbm:s0], s1  }
0x195: {  	s0 =	simm.s32 @!p0 $0x2  }
0x196: {  	_ =	swait.ge @!p0 [sflag:s0], s1  }
0x197: {  	s1 =	ssub.s32 @!p0 $0x0, s1;
	[sflag:s0] =	ssyncset.done @!p0 $0x0  }
0x198: {  	[sflag:s0] =	ssyncadd.s32 @!p0 s1  }
0x199: {  	[bflag:$0x3] =	sbarrier.arrive $0xFFFF  }
0x19a: {  	_ =	shalt  }

</sc_bundles>
